<compile_context>
chip_gen: v7x
topology: tpu7x:2x2x1
jax: 0.10.2.dev20260603
libtpu: 0.0.44.dev20260713+nightly
codegen_flags: <defaults>
</compile_context>

<pallas_src>
import functools

import jax
import jax.numpy as jnp
from jax.experimental import pallas as pl
from jax.experimental.pallas import tpu as pltpu
from jax.experimental.pallas import tpu_sc as plsc

B, N, D, K = 2, 2048, 128, 6
R = 256
NB = N // R
NC, NS = 2, 16
NW = NC * NS
GPW = B * N * K // NW
KC = GPW // 128


def _leaky(v):
    return jnp.where(v >= 0, v, 0.01 * v)


def _prep_body(x_ref, xfull_ref, xt_ref, wi_ref, bi_ref, wne1_ref,
               f0_ref, t0_ref, nbr_ref):
    xb = x_ref[0]
    f0 = (xb[:, 0:1] * wi_ref[0:1, :]
          + xb[:, 1:2] * wi_ref[1:2, :]
          + xb[:, 2:3] * wi_ref[2:3, :]
          + bi_ref[0:1, :])
    f0_ref[0] = f0
    t0_ref[0] = jnp.dot(f0, wne1_ref[...],
                        preferred_element_type=jnp.float32)

    xf = xfull_ref[0]
    xr = xt_ref[0]
    d2 = ((xf[:, 0:1] - xr[0:1, :]) ** 2
          + (xf[:, 1:2] - xr[1:2, :]) ** 2
          + (xf[:, 2:3] - xr[2:3, :]) ** 2)
    iota = jax.lax.broadcasted_iota(jnp.int32, (N, 1), 0)
    key = (jax.lax.bitcast_convert_type(d2, jnp.int32)
           & jnp.int32(~0x7FF)) | iota
    imax = jnp.int32(0x7FFFFFFF)
    for t in range(K):
        kmin = jnp.min(key, axis=0, keepdims=True)
        nbr_ref[0, t:t + 1, :] = kmin & jnp.int32(0x7FF)
        key = jnp.where(key <= kmin, imax, key)


def _prep_call(x, xt, wi, bi2, wne1):
    return pl.pallas_call(
        _prep_body,
        grid=(B, NB),
        in_specs=[
            pl.BlockSpec((1, R, 3), lambda b, i: (b, i, 0)),
            pl.BlockSpec((1, N, 3), lambda b, i: (b, 0, 0)),
            pl.BlockSpec((1, 3, R), lambda b, i: (b, 0, i)),
            pl.BlockSpec((3, D), lambda b, i: (0, 0)),
            pl.BlockSpec((1, D), lambda b, i: (0, 0)),
            pl.BlockSpec((D, D), lambda b, i: (0, 0)),
        ],
        out_specs=[
            pl.BlockSpec((1, R, D), lambda b, i: (b, i, 0)),
            pl.BlockSpec((1, R, D), lambda b, i: (b, i, 0)),
            pl.BlockSpec((1, K, R), lambda b, i: (b, 0, i)),
        ],
        out_shape=[
            jax.ShapeDtypeStruct((B, N, D), jnp.float32),
            jax.ShapeDtypeStruct((B, N, D), jnp.float32),
            jax.ShapeDtypeStruct((B, K, N), jnp.int32),
        ],
    )(x, x, xt, wi, bi2, wne1)


def _sc_gather(table, idx3):
    mesh = plsc.VectorSubcoreMesh(core_axis_name="c", subcore_axis_name="s")

    @functools.partial(
        pl.kernel,
        out_type=jax.ShapeDtypeStruct((NW, KC, 128, D), jnp.float32),
        mesh=mesh,
        scratch_types=[
            pltpu.VMEM((KC, 128), jnp.int32),
            pltpu.VMEM((KC, 128, D), jnp.float32),
            pltpu.SemaphoreType.DMA,
        ],
    )
    def gk(table_hbm, idx_hbm, out_hbm, idx_v, rows_v, sem):
        wid = jax.lax.axis_index("s") * NC + jax.lax.axis_index("c")
        pltpu.sync_copy(idx_hbm.at[wid], idx_v)
        copies = [
            pltpu.async_copy(table_hbm.at[idx_v.at[c]], rows_v.at[c], sem)
            for c in range(KC)
        ]
        for cp in copies:
            cp.wait()
        pltpu.sync_copy(rows_v, out_hbm.at[wid])

    return gk(table, idx3)


def _gspec(j):
    return pl.BlockSpec((1, 1, R, D), lambda b, i, j=j: (b, j, i, 0))


def _layer_body(g0, g1, g2, g3, g4, g5, t_ref, f_ref, bne_ref, wf_ref,
                bf_ref, wnx_ref, fn_ref, tn_ref):
    c = bne_ref[0:1, :] - t_ref[0]
    s = f_ref[0]
    for g_ref in (g0, g1, g2, g3, g4, g5):
        s = s + _leaky(g_ref[0, 0] + c)
    fn = jnp.dot(s, wf_ref[...], preferred_element_type=jnp.float32) \
        + 7.0 * bf_ref[0:1, :]
    fn_ref[0] = fn
    tn_ref[0] = jnp.dot(fn, wnx_ref[...],
                        preferred_element_type=jnp.float32)


def _layer_call(g, t, f, bne2d, wf, bf2d, wnx):
    return pl.pallas_call(
        _layer_body,
        grid=(B, NB),
        in_specs=[_gspec(j) for j in range(K)] + [
            pl.BlockSpec((1, R, D), lambda b, i: (b, i, 0)),
            pl.BlockSpec((1, R, D), lambda b, i: (b, i, 0)),
            pl.BlockSpec((1, D), lambda b, i: (0, 0)),
            pl.BlockSpec((D, D), lambda b, i: (0, 0)),
            pl.BlockSpec((1, D), lambda b, i: (0, 0)),
            pl.BlockSpec((D, D), lambda b, i: (0, 0)),
        ],
        out_specs=[
            pl.BlockSpec((1, R, D), lambda b, i: (b, i, 0)),
            pl.BlockSpec((1, R, D), lambda b, i: (b, i, 0)),
        ],
        out_shape=[
            jax.ShapeDtypeStruct((B, N, D), jnp.float32),
            jax.ShapeDtypeStruct((B, N, D), jnp.float32),
        ],
    )(g, g, g, g, g, g, t, f, bne2d, wf, bf2d, wnx)


def _final_body(g0, g1, g2, g3, g4, g5, t_ref, f_ref, bne_ref, wf_ref,
                bf_ref, dp_ref, wdp_ref, bdp_ref,
                h_ref, dep_ref, msum_ref):
    b = pl.program_id(0)
    i = pl.program_id(1)
    c = bne_ref[0:1, :] - t_ref[0]
    s = f_ref[0]
    for g_ref in (g0, g1, g2, g3, g4, g5):
        s = s + _leaky(g_ref[0, 0] + c)
    f2 = jnp.dot(s, wf_ref[...], preferred_element_type=jnp.float32) \
        + 7.0 * bf_ref[0:1, :]
    hb = _leaky(f2)
    h_ref[0] = hb
    cs = jnp.sum(hb, axis=0, keepdims=True)

    @pl.when(i == 0)
    def _init():
        row = dp_ref[pl.ds(b, 1), :]
        dep = _leaky(jnp.dot(row, wdp_ref[...],
                             preferred_element_type=jnp.float32)
                     + bdp_ref[0:1, :])
        dep_ref[0] = dep
        msum_ref[0] = cs

    @pl.when(i > 0)
    def _acc():
        msum_ref[0] = msum_ref[0] + cs

    @pl.when(i == NB - 1)
    def _fin():
        msum_ref[0] = (msum_ref[0] + dep_ref[0]) / jnp.float32(N + 1)


def _final_call(g, t, f, bne2d, wf, bf2d, dpad, wdpad, bdp2d):
    return pl.pallas_call(
        _final_body,
        grid=(B, NB),
        in_specs=[_gspec(j) for j in range(K)] + [
            pl.BlockSpec((1, R, D), lambda b, i: (b, i, 0)),
            pl.BlockSpec((1, R, D), lambda b, i: (b, i, 0)),
            pl.BlockSpec((1, D), lambda b, i: (0, 0)),
            pl.BlockSpec((D, D), lambda b, i: (0, 0)),
            pl.BlockSpec((1, D), lambda b, i: (0, 0)),
            pl.BlockSpec((B, 8), lambda b, i: (0, 0)),
            pl.BlockSpec((8, D), lambda b, i: (0, 0)),
            pl.BlockSpec((1, D), lambda b, i: (0, 0)),
        ],
        out_specs=[
            pl.BlockSpec((1, R, D), lambda b, i: (b, i, 0)),
            pl.BlockSpec((1, 1, D), lambda b, i: (b, 0, 0)),
            pl.BlockSpec((1, 1, D), lambda b, i: (b, 0, 0)),
        ],
        out_shape=[
            jax.ShapeDtypeStruct((B, N, D), jnp.float32),
            jax.ShapeDtypeStruct((B, 1, D), jnp.float32),
            jax.ShapeDtypeStruct((B, 1, D), jnp.float32),
        ],
    )(g, g, g, g, g, g, t, f, bne2d, wf, bf2d, dpad, wdpad, bdp2d)


def kernel(loc, demand, depot, W_init, b_init, W_ne1, b_ne1, W_f1, b_f1,
           W_ne2, b_ne2, W_f2, b_f2, W_dep, b_dep):
    x = jnp.concatenate([loc, demand[:, :, None]], axis=2)
    xt = jnp.swapaxes(x, 1, 2)
    f0, t0, nbr = _prep_call(x, xt, W_init, b_init[None, :], W_ne1)

    idx3 = nbr.reshape(NW, KC, 128)
    g1 = _sc_gather(t0[0], idx3).reshape(B, K, N, D)
    f1, t1 = _layer_call(g1, t0, f0, b_ne1[None, :], W_f1,
                         b_f1[None, :], W_ne2)

    g2 = _sc_gather(t1[0], idx3).reshape(B, K, N, D)
    dpad = jnp.concatenate([depot, jnp.zeros((B, 6), jnp.float32)], axis=1)
    wdpad = jnp.concatenate([W_dep, jnp.zeros((6, D), jnp.float32)], axis=0)
    h_body, dep, mean = _final_call(g2, t1, f1, b_ne2[None, :], W_f2,
                                    b_f2[None, :], dpad, wdpad,
                                    b_dep[None, :])
    h = jnp.concatenate([dep, h_body], axis=1)
    return (h, mean[:, 0, :])

# --- scband reference (transcript-rebuilt; emitter-appended) ---
"""Pipeline reference for scband-ccn3-41025527611858 (READ-ONLY COPY).

The authoritative reference and input builder live on the scoring server;
editing this copy changes nothing except your own understanding.
"""

import jax, jax.numpy as jnp
import numpy as np


def _lin(k, fan_in, fan_out):
    kw, kb = jax.random.split(k)
    s = 1.0 / np.sqrt(fan_in)
    W = jax.random.uniform(kw, (fan_in, fan_out), minval=-s, maxval=s, dtype=jnp.float32)
    b = jax.random.uniform(kb, (fan_out,), minval=-s, maxval=s, dtype=jnp.float32)
    return W, b


def setup_inputs(seed: int = 0) -> dict:
    key = jax.random.key(seed)
    ks = jax.random.split(key, 9)
    B, N, D = 2, 2048, 128
    loc = jax.random.uniform(ks[0], (B, N, 2), dtype=jnp.float32)
    demand = jax.random.uniform(ks[1], (B, N), dtype=jnp.float32)
    depot = jax.random.uniform(ks[2], (B, 2), dtype=jnp.float32)
    W_init, b_init = _lin(ks[3], 3, D)
    W_ne1, b_ne1 = _lin(ks[4], D, D)
    W_ne2, b_ne2 = _lin(ks[5], D, D)
    W_f1, b_f1 = _lin(ks[6], D, D)
    W_f2, b_f2 = _lin(ks[7], D, D)
    W_dep, b_dep = _lin(ks[8], 2, D)
    return {"loc": loc, "demand": demand, "depot": depot,
            "W_init": W_init, "b_init": b_init,
            "W_ne1": W_ne1, "b_ne1": b_ne1,
            "W_f1": W_f1, "b_f1": b_f1,
            "W_ne2": W_ne2, "b_ne2": b_ne2,
            "W_f2": W_f2, "b_f2": b_f2,
            "W_dep": W_dep, "b_dep": b_dep}


def _leaky(x):
    return jnp.where(x >= 0, x, 0.01 * x)


def reference(loc, demand, depot, W_init, b_init, W_ne1, b_ne1, W_f1, b_f1, W_ne2, b_ne2, W_f2, b_f2, W_dep, b_dep):
    n_neighbors = 6
    # x = cat(loc, demand[:, :, None]) -> [B, N, 3]
    x = jnp.concatenate([loc, demand[:, :, None]], axis=2)
    F0 = x @ W_init + b_init  # [B, N, D]
    # pairwise distance matrix [B, N, N]
    diff = x[:, None, :, :] - x[:, :, None, :]
    dist_mat = jnp.linalg.norm(diff, axis=-1)
    # sorted indices along last dim, keep first n_neighbors
    neighbors = jnp.argsort(dist_mat, axis=-1)[:, :, :n_neighbors]  # int [B, N, k]
    # NOTE: torch code does F0_embedding_3d[:, neighbors][0] which gathers
    # from batch-0 embeddings using every batch's neighbor indices.
    nbr0 = jnp.take(F0[0], neighbors, axis=0)  # [B, N, k, D]
    nd1 = _leaky((nbr0 - F0[:, :, None, :]) @ W_ne1 + b_ne1)
    concat = jnp.concatenate([F0[:, :, None, :], nd1], axis=2)  # [B, N, k+1, D]
    F1 = (concat @ W_f1 + b_f1).sum(axis=2)  # [B, N, D]
    nbr1 = jnp.take(F1[0], neighbors, axis=0)
    nd2 = _leaky((nbr1 - F1[:, :, None, :]) @ W_ne2 + b_ne2)
    concat2 = jnp.concatenate([F1[:, :, None, :], nd2], axis=2)
    F2 = (concat2 @ W_f2 + b_f2).sum(axis=2)  # [B, N, D]
    dep = depot @ W_dep + b_dep  # [B, D]
    h = _leaky(jnp.concatenate([dep[:, None, :], F2], axis=-2))  # [B, N+1, D]
    return (h, h.mean(axis=1))

if __name__ == "__main__":
    import jax
    _d = setup_inputs()
    print(jax.jit(kernel)(*tuple(_d.values())))

</pallas_src>

<mosaic_0001>
#map = affine_map<(d0, d1) -> (0, 0)>
#map1 = affine_map<(d0, d1) -> (0, 0, 0)>
#map2 = affine_map<(d0, d1) -> (0, 0, 0, 0)>
module attributes {stable_mosaic.version = 14 : i64} {
  func.func @gk(%arg0: i32, %arg1: i32, %arg2: memref<2048x128xf32, #tpu.memory_space<hbm>>, %arg3: memref<32x6x128xi32, #tpu.memory_space<hbm>>, %arg4: memref<32x6x128x128xf32, #tpu.memory_space<hbm>>, %arg5: memref<6x128xi32, #tpu.memory_space<vmem>>, %arg6: memref<6x128x128xf32, #tpu.memory_space<vmem>>, %arg7: memref<!tpu.dma_semaphore, #tpu.memory_space<semaphore_mem>>) attributes {dimension_semantics = [#tpu.dimension_semantics<core_parallel>, #tpu.dimension_semantics<subcore_parallel>], iteration_bounds = array<i64: 2, 16>, scalar_prefetch = 0 : i64, scratch_operands = 3 : i64, tpu.core_type = #tpu.core_type<sc_vector_subcore>, window_params = [{transform_indices = #map}, {transform_indices = #map1}, {transform_indices = #map2}]} {
    %mul3A = arith.constant 2 : i32
    %mul3A_0 = arith.muli %arg1, %mul3A : i32
    %add3A = arith.addi %mul3A_0, %arg0 : i32
    "tpu.region"() ({
      %run_scoped3A = tpu.sem_alloc : memref<!tpu.dma_semaphore, #tpu.memory_space<semaphore_mem>>
      %dma_start3A_143 = arith.constant 0 : i32
      %dma_start3A_144 = arith.constant 0 : i32
      %dma_start3A_145 = tpu.memref_slice %arg3[%add3A, %dma_start3A_143, %dma_start3A_144] : memref<32x6x128xi32, #tpu.memory_space<hbm>> -> memref<1x6x128xi32, #tpu.memory_space<hbm>>
      %dma_start3A_146 = tpu.memref_squeeze %dma_start3A_145 : memref<1x6x128xi32, #tpu.memory_space<hbm>> -> memref<6x128xi32, #tpu.memory_space<hbm>>
      %dma_start3A_147 = arith.constant 0 : i32
      %dma_start3A_148 = arith.constant 0 : i32
      %dma_start3A_149 = tpu.memref_slice %arg3[%add3A, %dma_start3A_147, %dma_start3A_148] : memref<32x6x128xi32, #tpu.memory_space<hbm>> -> memref<1x6x128xi32, #tpu.memory_space<hbm>>
      %dma_start3A_150 = tpu.memref_squeeze %dma_start3A_149 : memref<1x6x128xi32, #tpu.memory_space<hbm>> -> memref<6x128xi32, #tpu.memory_space<hbm>>
      tpu.enqueue_dma source(%dma_start3A_150 : memref<6x128xi32, #tpu.memory_space<hbm>>) target(%arg5 : memref<6x128xi32, #tpu.memory_space<vmem>>) target_semaphore(%run_scoped3A : memref<!tpu.dma_semaphore, #tpu.memory_space<semaphore_mem>>)
      %dma_wait3A_151 = arith.constant 0 : i32
      %dma_wait3A_152 = arith.constant 0 : i32
      %dma_wait3A_153 = tpu.memref_slice %arg3[%add3A, %dma_wait3A_151, %dma_wait3A_152] : memref<32x6x128xi32, #tpu.memory_space<hbm>> -> memref<1x6x128xi32, #tpu.memory_space<hbm>>
      %dma_wait3A_154 = tpu.memref_squeeze %dma_wait3A_153 : memref<1x6x128xi32, #tpu.memory_space<hbm>> -> memref<6x128xi32, #tpu.memory_space<hbm>>
      %dma_wait3A_155 = arith.constant 0 : i32
      %dma_wait3A_156 = arith.constant 0 : i32
      %dma_wait3A_157 = tpu.memref_slice %arg3[%add3A, %dma_wait3A_155, %dma_wait3A_156] : memref<32x6x128xi32, #tpu.memory_space<hbm>> -> memref<1x6x128xi32, #tpu.memory_space<hbm>>
      %dma_wait3A_158 = tpu.memref_squeeze %dma_wait3A_157 : memref<1x6x128xi32, #tpu.memory_space<hbm>> -> memref<6x128xi32, #tpu.memory_space<hbm>>
      tpu.wait_dma2 semaphore(%run_scoped3A : memref<!tpu.dma_semaphore, #tpu.memory_space<semaphore_mem>>) src(%dma_wait3A_158 : memref<6x128xi32, #tpu.memory_space<hbm>>) dst(%arg5 : memref<6x128xi32, #tpu.memory_space<vmem>>)
      tpu.yield
    }) : () -> ()
    %dma_start3A = arith.constant 0 : i32
    %dma_start3A_1 = arith.constant 0 : i32
    %dma_start3A_2 = arith.constant 0 : i32
    %dma_start3A_3 = arith.constant 0 : i32
    %dma_start3A_4 = tpu.memref_slice %arg6[%dma_start3A_1, %dma_start3A_2, %dma_start3A_3] : memref<6x128x128xf32, #tpu.memory_space<vmem>> -> memref<1x128x128xf32, #tpu.memory_space<vmem>>
    %dma_start3A_5 = tpu.memref_squeeze %dma_start3A_4 : memref<1x128x128xf32, #tpu.memory_space<vmem>> -> memref<128x128xf32, #tpu.memory_space<vmem>>
    %dma_start3A_6 = arith.constant 0 : i32
    %dma_start3A_7 = tpu.memref_slice %arg5[%dma_start3A, %dma_start3A_6] : memref<6x128xi32, #tpu.memory_space<vmem>> -> memref<1x128xi32, #tpu.memory_space<vmem>>
    %dma_start3A_8 = tpu.memref_squeeze %dma_start3A_7 : memref<1x128xi32, #tpu.memory_space<vmem>> -> memref<128xi32, #tpu.memory_space<vmem>>
    %dma_start3A_9 = arith.constant 0 : i32
    %dma_start3A_10 = arith.constant 0 : i32
    %dma_start3A_11 = tpu.memref_slice %arg2[%dma_start3A_9, %dma_start3A_10] : memref<2048x128xf32, #tpu.memory_space<hbm>> -> memref<2048x128xf32, #tpu.memory_space<hbm>>
    tpu.enqueue_indirect_dma source(%dma_start3A_11 : memref<2048x128xf32, #tpu.memory_space<hbm>>) target(%dma_start3A_5 : memref<128x128xf32, #tpu.memory_space<vmem>>) offsets(%dma_start3A_8 : memref<128xi32, #tpu.memory_space<vmem>>) semaphore(%arg7 : memref<!tpu.dma_semaphore, #tpu.memory_space<semaphore_mem>>)
    %dma_start3A_12 = arith.constant 1 : i32
    %dma_start3A_13 = arith.constant 1 : i32
    %dma_start3A_14 = arith.constant 0 : i32
    %dma_start3A_15 = arith.constant 0 : i32
    %dma_start3A_16 = tpu.memref_slice %arg6[%dma_start3A_13, %dma_start3A_14, %dma_start3A_15] : memref<6x128x128xf32, #tpu.memory_space<vmem>> -> memref<1x128x128xf32, #tpu.memory_space<vmem>>
    %dma_start3A_17 = tpu.memref_squeeze %dma_start3A_16 : memref<1x128x128xf32, #tpu.memory_space<vmem>> -> memref<128x128xf32, #tpu.memory_space<vmem>>
    %dma_start3A_18 = arith.constant 0 : i32
    %dma_start3A_19 = tpu.memref_slice %arg5[%dma_start3A_12, %dma_start3A_18] : memref<6x128xi32, #tpu.memory_space<vmem>> -> memref<1x128xi32, #tpu.memory_space<vmem>>
    %dma_start3A_20 = tpu.memref_squeeze %dma_start3A_19 : memref<1x128xi32, #tpu.memory_space<vmem>> -> memref<128xi32, #tpu.memory_space<vmem>>
    %dma_start3A_21 = arith.constant 0 : i32
    %dma_start3A_22 = arith.constant 0 : i32
    %dma_start3A_23 = tpu.memref_slice %arg2[%dma_start3A_21, %dma_start3A_22] : memref<2048x128xf32, #tpu.memory_space<hbm>> -> memref<2048x128xf32, #tpu.memory_space<hbm>>
    tpu.enqueue_indirect_dma source(%dma_start3A_23 : memref<2048x128xf32, #tpu.memory_space<hbm>>) target(%dma_start3A_17 : memref<128x128xf32, #tpu.memory_space<vmem>>) offsets(%dma_start3A_20 : memref<128xi32, #tpu.memory_space<vmem>>) semaphore(%arg7 : memref<!tpu.dma_semaphore, #tpu.memory_space<semaphore_mem>>)
    %dma_start3A_24 = arith.constant 2 : i32
    %dma_start3A_25 = arith.constant 2 : i32
    %dma_start3A_26 = arith.constant 0 : i32
    %dma_start3A_27 = arith.constant 0 : i32
    %dma_start3A_28 = tpu.memref_slice %arg6[%dma_start3A_25, %dma_start3A_26, %dma_start3A_27] : memref<6x128x128xf32, #tpu.memory_space<vmem>> -> memref<1x128x128xf32, #tpu.memory_space<vmem>>
    %dma_start3A_29 = tpu.memref_squeeze %dma_start3A_28 : memref<1x128x128xf32, #tpu.memory_space<vmem>> -> memref<128x128xf32, #tpu.memory_space<vmem>>
    %dma_start3A_30 = arith.constant 0 : i32
    %dma_start3A_31 = tpu.memref_slice %arg5[%dma_start3A_24, %dma_start3A_30] : memref<6x128xi32, #tpu.memory_space<vmem>> -> memref<1x128xi32, #tpu.memory_space<vmem>>
    %dma_start3A_32 = tpu.memref_squeeze %dma_start3A_31 : memref<1x128xi32, #tpu.memory_space<vmem>> -> memref<128xi32, #tpu.memory_space<vmem>>
    %dma_start3A_33 = arith.constant 0 : i32
    %dma_start3A_34 = arith.constant 0 : i32
    %dma_start3A_35 = tpu.memref_slice %arg2[%dma_start3A_33, %dma_start3A_34] : memref<2048x128xf32, #tpu.memory_space<hbm>> -> memref<2048x128xf32, #tpu.memory_space<hbm>>
    tpu.enqueue_indirect_dma source(%dma_start3A_35 : memref<2048x128xf32, #tpu.memory_space<hbm>>) target(%dma_start3A_29 : memref<128x128xf32, #tpu.memory_space<vmem>>) offsets(%dma_start3A_32 : memref<128xi32, #tpu.memory_space<vmem>>) semaphore(%arg7 : memref<!tpu.dma_semaphore, #tpu.memory_space<semaphore_mem>>)
    %dma_start3A_36 = arith.constant 3 : i32
    %dma_start3A_37 = arith.constant 3 : i32
    %dma_start3A_38 = arith.constant 0 : i32
    %dma_start3A_39 = arith.constant 0 : i32
    %dma_start3A_40 = tpu.memref_slice %arg6[%dma_start3A_37, %dma_start3A_38, %dma_start3A_39] : memref<6x128x128xf32, #tpu.memory_space<vmem>> -> memref<1x128x128xf32, #tpu.memory_space<vmem>>
    %dma_start3A_41 = tpu.memref_squeeze %dma_start3A_40 : memref<1x128x128xf32, #tpu.memory_space<vmem>> -> memref<128x128xf32, #tpu.memory_space<vmem>>
    %dma_start3A_42 = arith.constant 0 : i32
    %dma_start3A_43 = tpu.memref_slice %arg5[%dma_start3A_36, %dma_start3A_42] : memref<6x128xi32, #tpu.memory_space<vmem>> -> memref<1x128xi32, #tpu.memory_space<vmem>>
    %dma_start3A_44 = tpu.memref_squeeze %dma_start3A_43 : memref<1x128xi32, #tpu.memory_space<vmem>> -> memref<128xi32, #tpu.memory_space<vmem>>
    %dma_start3A_45 = arith.constant 0 : i32
    %dma_start3A_46 = arith.constant 0 : i32
    %dma_start3A_47 = tpu.memref_slice %arg2[%dma_start3A_45, %dma_start3A_46] : memref<2048x128xf32, #tpu.memory_space<hbm>> -> memref<2048x128xf32, #tpu.memory_space<hbm>>
    tpu.enqueue_indirect_dma source(%dma_start3A_47 : memref<2048x128xf32, #tpu.memory_space<hbm>>) target(%dma_start3A_41 : memref<128x128xf32, #tpu.memory_space<vmem>>) offsets(%dma_start3A_44 : memref<128xi32, #tpu.memory_space<vmem>>) semaphore(%arg7 : memref<!tpu.dma_semaphore, #tpu.memory_space<semaphore_mem>>)
    %dma_start3A_48 = arith.constant 4 : i32
    %dma_start3A_49 = arith.constant 4 : i32
    %dma_start3A_50 = arith.constant 0 : i32
    %dma_start3A_51 = arith.constant 0 : i32
    %dma_start3A_52 = tpu.memref_slice %arg6[%dma_start3A_49, %dma_start3A_50, %dma_start3A_51] : memref<6x128x128xf32, #tpu.memory_space<vmem>> -> memref<1x128x128xf32, #tpu.memory_space<vmem>>
    %dma_start3A_53 = tpu.memref_squeeze %dma_start3A_52 : memref<1x128x128xf32, #tpu.memory_space<vmem>> -> memref<128x128xf32, #tpu.memory_space<vmem>>
    %dma_start3A_54 = arith.constant 0 : i32
    %dma_start3A_55 = tpu.memref_slice %arg5[%dma_start3A_48, %dma_start3A_54] : memref<6x128xi32, #tpu.memory_space<vmem>> -> memref<1x128xi32, #tpu.memory_space<vmem>>
    %dma_start3A_56 = tpu.memref_squeeze %dma_start3A_55 : memref<1x128xi32, #tpu.memory_space<vmem>> -> memref<128xi32, #tpu.memory_space<vmem>>
    %dma_start3A_57 = arith.constant 0 : i32
    %dma_start3A_58 = arith.constant 0 : i32
    %dma_start3A_59 = tpu.memref_slice %arg2[%dma_start3A_57, %dma_start3A_58] : memref<2048x128xf32, #tpu.memory_space<hbm>> -> memref<2048x128xf32, #tpu.memory_space<hbm>>
    tpu.enqueue_indirect_dma source(%dma_start3A_59 : memref<2048x128xf32, #tpu.memory_space<hbm>>) target(%dma_start3A_53 : memref<128x128xf32, #tpu.memory_space<vmem>>) offsets(%dma_start3A_56 : memref<128xi32, #tpu.memory_space<vmem>>) semaphore(%arg7 : memref<!tpu.dma_semaphore, #tpu.memory_space<semaphore_mem>>)
    %dma_start3A_60 = arith.constant 5 : i32
    %dma_start3A_61 = arith.constant 5 : i32
    %dma_start3A_62 = arith.constant 0 : i32
    %dma_start3A_63 = arith.constant 0 : i32
    %dma_start3A_64 = tpu.memref_slice %arg6[%dma_start3A_61, %dma_start3A_62, %dma_start3A_63] : memref<6x128x128xf32, #tpu.memory_space<vmem>> -> memref<1x128x128xf32, #tpu.memory_space<vmem>>
    %dma_start3A_65 = tpu.memref_squeeze %dma_start3A_64 : memref<1x128x128xf32, #tpu.memory_space<vmem>> -> memref<128x128xf32, #tpu.memory_space<vmem>>
    %dma_start3A_66 = arith.constant 0 : i32
    %dma_start3A_67 = tpu.memref_slice %arg5[%dma_start3A_60, %dma_start3A_66] : memref<6x128xi32, #tpu.memory_space<vmem>> -> memref<1x128xi32, #tpu.memory_space<vmem>>
    %dma_start3A_68 = tpu.memref_squeeze %dma_start3A_67 : memref<1x128xi32, #tpu.memory_space<vmem>> -> memref<128xi32, #tpu.memory_space<vmem>>
    %dma_start3A_69 = arith.constant 0 : i32
    %dma_start3A_70 = arith.constant 0 : i32
    %dma_start3A_71 = tpu.memref_slice %arg2[%dma_start3A_69, %dma_start3A_70] : memref<2048x128xf32, #tpu.memory_space<hbm>> -> memref<2048x128xf32, #tpu.memory_space<hbm>>
    tpu.enqueue_indirect_dma source(%dma_start3A_71 : memref<2048x128xf32, #tpu.memory_space<hbm>>) target(%dma_start3A_65 : memref<128x128xf32, #tpu.memory_space<vmem>>) offsets(%dma_start3A_68 : memref<128xi32, #tpu.memory_space<vmem>>) semaphore(%arg7 : memref<!tpu.dma_semaphore, #tpu.memory_space<semaphore_mem>>)
    %dma_wait3A = arith.constant 0 : i32
    %dma_wait3A_72 = arith.constant 0 : i32
    %dma_wait3A_73 = arith.constant 0 : i32
    %dma_wait3A_74 = arith.constant 0 : i32
    %dma_wait3A_75 = tpu.memref_slice %arg6[%dma_wait3A_72, %dma_wait3A_73, %dma_wait3A_74] : memref<6x128x128xf32, #tpu.memory_space<vmem>> -> memref<1x128x128xf32, #tpu.memory_space<vmem>>
    %dma_wait3A_76 = tpu.memref_squeeze %dma_wait3A_75 : memref<1x128x128xf32, #tpu.memory_space<vmem>> -> memref<128x128xf32, #tpu.memory_space<vmem>>
    %dma_wait3A_77 = arith.constant 0 : i32
    %dma_wait3A_78 = tpu.memref_slice %arg5[%dma_wait3A, %dma_wait3A_77] : memref<6x128xi32, #tpu.memory_space<vmem>> -> memref<1x128xi32, #tpu.memory_space<vmem>>
    %dma_wait3A_79 = tpu.memref_squeeze %dma_wait3A_78 : memref<1x128xi32, #tpu.memory_space<vmem>> -> memref<128xi32, #tpu.memory_space<vmem>>
    %dma_wait3A_80 = arith.constant 0 : i32
    %dma_wait3A_81 = arith.constant 0 : i32
    %dma_wait3A_82 = tpu.memref_slice %arg2[%dma_wait3A_80, %dma_wait3A_81] : memref<2048x128xf32, #tpu.memory_space<hbm>> -> memref<2048x128xf32, #tpu.memory_space<hbm>>
    tpu.wait_indirect_dma semaphore(%arg7 : memref<!tpu.dma_semaphore, #tpu.memory_space<semaphore_mem>>) src(%dma_wait3A_82 : memref<2048x128xf32, #tpu.memory_space<hbm>>) dst(%dma_wait3A_76 : memref<128x128xf32, #tpu.memory_space<vmem>>)
    %dma_wait3A_83 = arith.constant 1 : i32
    %dma_wait3A_84 = arith.constant 1 : i32
    %dma_wait3A_85 = arith.constant 0 : i32
    %dma_wait3A_86 = arith.constant 0 : i32
    %dma_wait3A_87 = tpu.memref_slice %arg6[%dma_wait3A_84, %dma_wait3A_85, %dma_wait3A_86] : memref<6x128x128xf32, #tpu.memory_space<vmem>> -> memref<1x128x128xf32, #tpu.memory_space<vmem>>
    %dma_wait3A_88 = tpu.memref_squeeze %dma_wait3A_87 : memref<1x128x128xf32, #tpu.memory_space<vmem>> -> memref<128x128xf32, #tpu.memory_space<vmem>>
    %dma_wait3A_89 = arith.constant 0 : i32
    %dma_wait3A_90 = tpu.memref_slice %arg5[%dma_wait3A_83, %dma_wait3A_89] : memref<6x128xi32, #tpu.memory_space<vmem>> -> memref<1x128xi32, #tpu.memory_space<vmem>>
    %dma_wait3A_91 = tpu.memref_squeeze %dma_wait3A_90 : memref<1x128xi32, #tpu.memory_space<vmem>> -> memref<128xi32, #tpu.memory_space<vmem>>
    %dma_wait3A_92 = arith.constant 0 : i32
    %dma_wait3A_93 = arith.constant 0 : i32
    %dma_wait3A_94 = tpu.memref_slice %arg2[%dma_wait3A_92, %dma_wait3A_93] : memref<2048x128xf32, #tpu.memory_space<hbm>> -> memref<2048x128xf32, #tpu.memory_space<hbm>>
    tpu.wait_indirect_dma semaphore(%arg7 : memref<!tpu.dma_semaphore, #tpu.memory_space<semaphore_mem>>) src(%dma_wait3A_94 : memref<2048x128xf32, #tpu.memory_space<hbm>>) dst(%dma_wait3A_88 : memref<128x128xf32, #tpu.memory_space<vmem>>)
    %dma_wait3A_95 = arith.constant 2 : i32
    %dma_wait3A_96 = arith.constant 2 : i32
    %dma_wait3A_97 = arith.constant 0 : i32
    %dma_wait3A_98 = arith.constant 0 : i32
    %dma_wait3A_99 = tpu.memref_slice %arg6[%dma_wait3A_96, %dma_wait3A_97, %dma_wait3A_98] : memref<6x128x128xf32, #tpu.memory_space<vmem>> -> memref<1x128x128xf32, #tpu.memory_space<vmem>>
    %dma_wait3A_100 = tpu.memref_squeeze %dma_wait3A_99 : memref<1x128x128xf32, #tpu.memory_space<vmem>> -> memref<128x128xf32, #tpu.memory_space<vmem>>
    %dma_wait3A_101 = arith.constant 0 : i32
    %dma_wait3A_102 = tpu.memref_slice %arg5[%dma_wait3A_95, %dma_wait3A_101] : memref<6x128xi32, #tpu.memory_space<vmem>> -> memref<1x128xi32, #tpu.memory_space<vmem>>
    %dma_wait3A_103 = tpu.memref_squeeze %dma_wait3A_102 : memref<1x128xi32, #tpu.memory_space<vmem>> -> memref<128xi32, #tpu.memory_space<vmem>>
    %dma_wait3A_104 = arith.constant 0 : i32
    %dma_wait3A_105 = arith.constant 0 : i32
    %dma_wait3A_106 = tpu.memref_slice %arg2[%dma_wait3A_104, %dma_wait3A_105] : memref<2048x128xf32, #tpu.memory_space<hbm>> -> memref<2048x128xf32, #tpu.memory_space<hbm>>
    tpu.wait_indirect_dma semaphore(%arg7 : memref<!tpu.dma_semaphore, #tpu.memory_space<semaphore_mem>>) src(%dma_wait3A_106 : memref<2048x128xf32, #tpu.memory_space<hbm>>) dst(%dma_wait3A_100 : memref<128x128xf32, #tpu.memory_space<vmem>>)
    %dma_wait3A_107 = arith.constant 3 : i32
    %dma_wait3A_108 = arith.constant 3 : i32
    %dma_wait3A_109 = arith.constant 0 : i32
    %dma_wait3A_110 = arith.constant 0 : i32
    %dma_wait3A_111 = tpu.memref_slice %arg6[%dma_wait3A_108, %dma_wait3A_109, %dma_wait3A_110] : memref<6x128x128xf32, #tpu.memory_space<vmem>> -> memref<1x128x128xf32, #tpu.memory_space<vmem>>
    %dma_wait3A_112 = tpu.memref_squeeze %dma_wait3A_111 : memref<1x128x128xf32, #tpu.memory_space<vmem>> -> memref<128x128xf32, #tpu.memory_space<vmem>>
    %dma_wait3A_113 = arith.constant 0 : i32
    %dma_wait3A_114 = tpu.memref_slice %arg5[%dma_wait3A_107, %dma_wait3A_113] : memref<6x128xi32, #tpu.memory_space<vmem>> -> memref<1x128xi32, #tpu.memory_space<vmem>>
    %dma_wait3A_115 = tpu.memref_squeeze %dma_wait3A_114 : memref<1x128xi32, #tpu.memory_space<vmem>> -> memref<128xi32, #tpu.memory_space<vmem>>
    %dma_wait3A_116 = arith.constant 0 : i32
    %dma_wait3A_117 = arith.constant 0 : i32
    %dma_wait3A_118 = tpu.memref_slice %arg2[%dma_wait3A_116, %dma_wait3A_117] : memref<2048x128xf32, #tpu.memory_space<hbm>> -> memref<2048x128xf32, #tpu.memory_space<hbm>>
    tpu.wait_indirect_dma semaphore(%arg7 : memref<!tpu.dma_semaphore, #tpu.memory_space<semaphore_mem>>) src(%dma_wait3A_118 : memref<2048x128xf32, #tpu.memory_space<hbm>>) dst(%dma_wait3A_112 : memref<128x128xf32, #tpu.memory_space<vmem>>)
    %dma_wait3A_119 = arith.constant 4 : i32
    %dma_wait3A_120 = arith.constant 4 : i32
    %dma_wait3A_121 = arith.constant 0 : i32
    %dma_wait3A_122 = arith.constant 0 : i32
    %dma_wait3A_123 = tpu.memref_slice %arg6[%dma_wait3A_120, %dma_wait3A_121, %dma_wait3A_122] : memref<6x128x128xf32, #tpu.memory_space<vmem>> -> memref<1x128x128xf32, #tpu.memory_space<vmem>>
    %dma_wait3A_124 = tpu.memref_squeeze %dma_wait3A_123 : memref<1x128x128xf32, #tpu.memory_space<vmem>> -> memref<128x128xf32, #tpu.memory_space<vmem>>
    %dma_wait3A_125 = arith.constant 0 : i32
    %dma_wait3A_126 = tpu.memref_slice %arg5[%dma_wait3A_119, %dma_wait3A_125] : memref<6x128xi32, #tpu.memory_space<vmem>> -> memref<1x128xi32, #tpu.memory_space<vmem>>
    %dma_wait3A_127 = tpu.memref_squeeze %dma_wait3A_126 : memref<1x128xi32, #tpu.memory_space<vmem>> -> memref<128xi32, #tpu.memory_space<vmem>>
    %dma_wait3A_128 = arith.constant 0 : i32
    %dma_wait3A_129 = arith.constant 0 : i32
    %dma_wait3A_130 = tpu.memref_slice %arg2[%dma_wait3A_128, %dma_wait3A_129] : memref<2048x128xf32, #tpu.memory_space<hbm>> -> memref<2048x128xf32, #tpu.memory_space<hbm>>
    tpu.wait_indirect_dma semaphore(%arg7 : memref<!tpu.dma_semaphore, #tpu.memory_space<semaphore_mem>>) src(%dma_wait3A_130 : memref<2048x128xf32, #tpu.memory_space<hbm>>) dst(%dma_wait3A_124 : memref<128x128xf32, #tpu.memory_space<vmem>>)
    %dma_wait3A_131 = arith.constant 5 : i32
    %dma_wait3A_132 = arith.constant 5 : i32
    %dma_wait3A_133 = arith.constant 0 : i32
    %dma_wait3A_134 = arith.constant 0 : i32
    %dma_wait3A_135 = tpu.memref_slice %arg6[%dma_wait3A_132, %dma_wait3A_133, %dma_wait3A_134] : memref<6x128x128xf32, #tpu.memory_space<vmem>> -> memref<1x128x128xf32, #tpu.memory_space<vmem>>
    %dma_wait3A_136 = tpu.memref_squeeze %dma_wait3A_135 : memref<1x128x128xf32, #tpu.memory_space<vmem>> -> memref<128x128xf32, #tpu.memory_space<vmem>>
    %dma_wait3A_137 = arith.constant 0 : i32
    %dma_wait3A_138 = tpu.memref_slice %arg5[%dma_wait3A_131, %dma_wait3A_137] : memref<6x128xi32, #tpu.memory_space<vmem>> -> memref<1x128xi32, #tpu.memory_space<vmem>>
    %dma_wait3A_139 = tpu.memref_squeeze %dma_wait3A_138 : memref<1x128xi32, #tpu.memory_space<vmem>> -> memref<128xi32, #tpu.memory_space<vmem>>
    %dma_wait3A_140 = arith.constant 0 : i32
    %dma_wait3A_141 = arith.constant 0 : i32
    %dma_wait3A_142 = tpu.memref_slice %arg2[%dma_wait3A_140, %dma_wait3A_141] : memref<2048x128xf32, #tpu.memory_space<hbm>> -> memref<2048x128xf32, #tpu.memory_space<hbm>>
    tpu.wait_indirect_dma semaphore(%arg7 : memref<!tpu.dma_semaphore, #tpu.memory_space<semaphore_mem>>) src(%dma_wait3A_142 : memref<2048x128xf32, #tpu.memory_space<hbm>>) dst(%dma_wait3A_136 : memref<128x128xf32, #tpu.memory_space<vmem>>)
    "tpu.region"() ({
      %run_scoped3A = tpu.sem_alloc : memref<!tpu.dma_semaphore, #tpu.memory_space<semaphore_mem>>
      %dma_start3A_143 = arith.constant 0 : i32
      %dma_start3A_144 = arith.constant 0 : i32
      %dma_start3A_145 = arith.constant 0 : i32
      %dma_start3A_146 = tpu.memref_slice %arg4[%add3A, %dma_start3A_143, %dma_start3A_144, %dma_start3A_145] : memref<32x6x128x128xf32, #tpu.memory_space<hbm>> -> memref<1x6x128x128xf32, #tpu.memory_space<hbm>>
      %dma_start3A_147 = tpu.memref_squeeze %dma_start3A_146 : memref<1x6x128x128xf32, #tpu.memory_space<hbm>> -> memref<6x128x128xf32, #tpu.memory_space<hbm>>
      %dma_start3A_148 = arith.constant 0 : i32
      %dma_start3A_149 = arith.constant 0 : i32
      %dma_start3A_150 = arith.constant 0 : i32
      %dma_start3A_151 = tpu.memref_slice %arg4[%add3A, %dma_start3A_148, %dma_start3A_149, %dma_start3A_150] : memref<32x6x128x128xf32, #tpu.memory_space<hbm>> -> memref<1x6x128x128xf32, #tpu.memory_space<hbm>>
      %dma_start3A_152 = tpu.memref_squeeze %dma_start3A_151 : memref<1x6x128x128xf32, #tpu.memory_space<hbm>> -> memref<6x128x128xf32, #tpu.memory_space<hbm>>
      tpu.enqueue_dma source(%arg6 : memref<6x128x128xf32, #tpu.memory_space<vmem>>) target(%dma_start3A_152 : memref<6x128x128xf32, #tpu.memory_space<hbm>>) target_semaphore(%run_scoped3A : memref<!tpu.dma_semaphore, #tpu.memory_space<semaphore_mem>>)
      %dma_wait3A_153 = arith.constant 0 : i32
      %dma_wait3A_154 = arith.constant 0 : i32
      %dma_wait3A_155 = arith.constant 0 : i32
      %dma_wait3A_156 = tpu.memref_slice %arg4[%add3A, %dma_wait3A_153, %dma_wait3A_154, %dma_wait3A_155] : memref<32x6x128x128xf32, #tpu.memory_space<hbm>> -> memref<1x6x128x128xf32, #tpu.memory_space<hbm>>
      %dma_wait3A_157 = tpu.memref_squeeze %dma_wait3A_156 : memref<1x6x128x128xf32, #tpu.memory_space<hbm>> -> memref<6x128x128xf32, #tpu.memory_space<hbm>>
      %dma_wait3A_158 = arith.constant 0 : i32
      %dma_wait3A_159 = arith.constant 0 : i32
      %dma_wait3A_160 = arith.constant 0 : i32
      %dma_wait3A_161 = tpu.memref_slice %arg4[%add3A, %dma_wait3A_158, %dma_wait3A_159, %dma_wait3A_160] : memref<32x6x128x128xf32, #tpu.memory_space<hbm>> -> memref<1x6x128x128xf32, #tpu.memory_space<hbm>>
      %dma_wait3A_162 = tpu.memref_squeeze %dma_wait3A_161 : memref<1x6x128x128xf32, #tpu.memory_space<hbm>> -> memref<6x128x128xf32, #tpu.memory_space<hbm>>
      tpu.wait_dma2 semaphore(%run_scoped3A : memref<!tpu.dma_semaphore, #tpu.memory_space<semaphore_mem>>) src(%arg6 : memref<6x128x128xf32, #tpu.memory_space<vmem>>) dst(%dma_wait3A_162 : memref<6x128x128xf32, #tpu.memory_space<hbm>>)
      tpu.yield
    }) : () -> ()
    return
  }
}

#map = affine_map<(d0, d1) -> (0, 0)>
#map1 = affine_map<(d0, d1) -> (0, 0, 0)>
#map2 = affine_map<(d0, d1) -> (0, 0, 0, 0)>
module attributes {stable_mosaic.version = 14 : i64} {
  func.func @gk(%arg0: i32, %arg1: i32, %arg2: memref<2048x128xf32, #tpu.memory_space<hbm>>, %arg3: memref<32x6x128xi32, #tpu.memory_space<hbm>>, %arg4: memref<32x6x128x128xf32, #tpu.memory_space<hbm>>, %arg5: memref<6x128xi32, #tpu.memory_space<vmem>>, %arg6: memref<6x128x128xf32, #tpu.memory_space<vmem>>, %arg7: memref<!tpu.dma_semaphore, #tpu.memory_space<semaphore_mem>>) attributes {dimension_semantics = [#tpu.dimension_semantics<core_parallel>, #tpu.dimension_semantics<subcore_parallel>], iteration_bounds = array<i64: 2, 16>, scalar_prefetch = 0 : i64, scratch_operands = 3 : i64, tpu.core_type = #tpu.core_type<sc_vector_subcore>, window_params = [{transform_indices = #map}, {transform_indices = #map1}, {transform_indices = #map2}]} {
    %mul3A = arith.constant 2 : i32
    %mul3A_0 = arith.muli %arg1, %mul3A : i32
    %add3A = arith.addi %mul3A_0, %arg0 : i32
    "tpu.region"() ({
      %run_scoped3A = tpu.sem_alloc : memref<!tpu.dma_semaphore, #tpu.memory_space<semaphore_mem>>
      %dma_start3A_143 = arith.constant 0 : i32
      %dma_start3A_144 = arith.constant 0 : i32
      %dma_start3A_145 = tpu.memref_slice %arg3[%add3A, %dma_start3A_143, %dma_start3A_144] : memref<32x6x128xi32, #tpu.memory_space<hbm>> -> memref<1x6x128xi32, #tpu.memory_space<hbm>>
      %dma_start3A_146 = tpu.memref_squeeze %dma_start3A_145 : memref<1x6x128xi32, #tpu.memory_space<hbm>> -> memref<6x128xi32, #tpu.memory_space<hbm>>
      %dma_start3A_147 = arith.constant 0 : i32
      %dma_start3A_148 = arith.constant 0 : i32
      %dma_start3A_149 = tpu.memref_slice %arg3[%add3A, %dma_start3A_147, %dma_start3A_148] : memref<32x6x128xi32, #tpu.memory_space<hbm>> -> memref<1x6x128xi32, #tpu.memory_space<hbm>>
      %dma_start3A_150 = tpu.memref_squeeze %dma_start3A_149 : memref<1x6x128xi32, #tpu.memory_space<hbm>> -> memref<6x128xi32, #tpu.memory_space<hbm>>
      tpu.enqueue_dma source(%dma_start3A_150 : memref<6x128xi32, #tpu.memory_space<hbm>>) target(%arg5 : memref<6x128xi32, #tpu.memory_space<vmem>>) target_semaphore(%run_scoped3A : memref<!tpu.dma_semaphore, #tpu.memory_space<semaphore_mem>>)
      %dma_wait3A_151 = arith.constant 0 : i32
      %dma_wait3A_152 = arith.constant 0 : i32
      %dma_wait3A_153 = tpu.memref_slice %arg3[%add3A, %dma_wait3A_151, %dma_wait3A_152] : memref<32x6x128xi32, #tpu.memory_space<hbm>> -> memref<1x6x128xi32, #tpu.memory_space<hbm>>
      %dma_wait3A_154 = tpu.memref_squeeze %dma_wait3A_153 : memref<1x6x128xi32, #tpu.memory_space<hbm>> -> memref<6x128xi32, #tpu.memory_space<hbm>>
      %dma_wait3A_155 = arith.constant 0 : i32
      %dma_wait3A_156 = arith.constant 0 : i32
      %dma_wait3A_157 = tpu.memref_slice %arg3[%add3A, %dma_wait3A_155, %dma_wait3A_156] : memref<32x6x128xi32, #tpu.memory_space<hbm>> -> memref<1x6x128xi32, #tpu.memory_space<hbm>>
      %dma_wait3A_158 = tpu.memref_squeeze %dma_wait3A_157 : memref<1x6x128xi32, #tpu.memory_space<hbm>> -> memref<6x128xi32, #tpu.memory_space<hbm>>
      tpu.wait_dma2 semaphore(%run_scoped3A : memref<!tpu.dma_semaphore, #tpu.memory_space<semaphore_mem>>) src(%dma_wait3A_158 : memref<6x128xi32, #tpu.memory_space<hbm>>) dst(%arg5 : memref<6x128xi32, #tpu.memory_space<vmem>>)
      tpu.yield
    }) : () -> ()
    %dma_start3A = arith.constant 0 : i32
    %dma_start3A_1 = arith.constant 0 : i32
    %dma_start3A_2 = arith.constant 0 : i32
    %dma_start3A_3 = arith.constant 0 : i32
    %dma_start3A_4 = tpu.memref_slice %arg6[%dma_start3A_1, %dma_start3A_2, %dma_start3A_3] : memref<6x128x128xf32, #tpu.memory_space<vmem>> -> memref<1x128x128xf32, #tpu.memory_space<vmem>>
    %dma_start3A_5 = tpu.memref_squeeze %dma_start3A_4 : memref<1x128x128xf32, #tpu.memory_space<vmem>> -> memref<128x128xf32, #tpu.memory_space<vmem>>
    %dma_start3A_6 = arith.constant 0 : i32
    %dma_start3A_7 = tpu.memref_slice %arg5[%dma_start3A, %dma_start3A_6] : memref<6x128xi32, #tpu.memory_space<vmem>> -> memref<1x128xi32, #tpu.memory_space<vmem>>
    %dma_start3A_8 = tpu.memref_squeeze %dma_start3A_7 : memref<1x128xi32, #tpu.memory_space<vmem>> -> memref<128xi32, #tpu.memory_space<vmem>>
    %dma_start3A_9 = arith.constant 0 : i32
    %dma_start3A_10 = arith.constant 0 : i32
    %dma_start3A_11 = tpu.memref_slice %arg2[%dma_start3A_9, %dma_start3A_10] : memref<2048x128xf32, #tpu.memory_space<hbm>> -> memref<2048x128xf32, #tpu.memory_space<hbm>>
    tpu.enqueue_indirect_dma source(%dma_start3A_11 : memref<2048x128xf32, #tpu.memory_space<hbm>>) target(%dma_start3A_5 : memref<128x128xf32, #tpu.memory_space<vmem>>) offsets(%dma_start3A_8 : memref<128xi32, #tpu.memory_space<vmem>>) semaphore(%arg7 : memref<!tpu.dma_semaphore, #tpu.memory_space<semaphore_mem>>)
    %dma_start3A_12 = arith.constant 1 : i32
    %dma_start3A_13 = arith.constant 1 : i32
    %dma_start3A_14 = arith.constant 0 : i32
    %dma_start3A_15 = arith.constant 0 : i32
    %dma_start3A_16 = tpu.memref_slice %arg6[%dma_start3A_13, %dma_start3A_14, %dma_start3A_15] : memref<6x128x128xf32, #tpu.memory_space<vmem>> -> memref<1x128x128xf32, #tpu.memory_space<vmem>>
    %dma_start3A_17 = tpu.memref_squeeze %dma_start3A_16 : memref<1x128x128xf32, #tpu.memory_space<vmem>> -> memref<128x128xf32, #tpu.memory_space<vmem>>
    %dma_start3A_18 = arith.constant 0 : i32
    %dma_start3A_19 = tpu.memref_slice %arg5[%dma_start3A_12, %dma_start3A_18] : memref<6x128xi32, #tpu.memory_space<vmem>> -> memref<1x128xi32, #tpu.memory_space<vmem>>
    %dma_start3A_20 = tpu.memref_squeeze %dma_start3A_19 : memref<1x128xi32, #tpu.memory_space<vmem>> -> memref<128xi32, #tpu.memory_space<vmem>>
    %dma_start3A_21 = arith.constant 0 : i32
    %dma_start3A_22 = arith.constant 0 : i32
    %dma_start3A_23 = tpu.memref_slice %arg2[%dma_start3A_21, %dma_start3A_22] : memref<2048x128xf32, #tpu.memory_space<hbm>> -> memref<2048x128xf32, #tpu.memory_space<hbm>>
    tpu.enqueue_indirect_dma source(%dma_start3A_23 : memref<2048x128xf32, #tpu.memory_space<hbm>>) target(%dma_start3A_17 : memref<128x128xf32, #tpu.memory_space<vmem>>) offsets(%dma_start3A_20 : memref<128xi32, #tpu.memory_space<vmem>>) semaphore(%arg7 : memref<!tpu.dma_semaphore, #tpu.memory_space<semaphore_mem>>)
    %dma_start3A_24 = arith.constant 2 : i32
    %dma_start3A_25 = arith.constant 2 : i32
    %dma_start3A_26 = arith.constant 0 : i32
    %dma_start3A_27 = arith.constant 0 : i32
    %dma_start3A_28 = tpu.memref_slice %arg6[%dma_start3A_25, %dma_start3A_26, %dma_start3A_27] : memref<6x128x128xf32, #tpu.memory_space<vmem>> -> memref<1x128x128xf32, #tpu.memory_space<vmem>>
    %dma_start3A_29 = tpu.memref_squeeze %dma_start3A_28 : memref<1x128x128xf32, #tpu.memory_space<vmem>> -> memref<128x128xf32, #tpu.memory_space<vmem>>
    %dma_start3A_30 = arith.constant 0 : i32
    %dma_start3A_31 = tpu.memref_slice %arg5[%dma_start3A_24, %dma_start3A_30] : memref<6x128xi32, #tpu.memory_space<vmem>> -> memref<1x128xi32, #tpu.memory_space<vmem>>
    %dma_start3A_32 = tpu.memref_squeeze %dma_start3A_31 : memref<1x128xi32, #tpu.memory_space<vmem>> -> memref<128xi32, #tpu.memory_space<vmem>>
    %dma_start3A_33 = arith.constant 0 : i32
    %dma_start3A_34 = arith.constant 0 : i32
    %dma_start3A_35 = tpu.memref_slice %arg2[%dma_start3A_33, %dma_start3A_34] : memref<2048x128xf32, #tpu.memory_space<hbm>> -> memref<2048x128xf32, #tpu.memory_space<hbm>>
    tpu.enqueue_indirect_dma source(%dma_start3A_35 : memref<2048x128xf32, #tpu.memory_space<hbm>>) target(%dma_start3A_29 : memref<128x128xf32, #tpu.memory_space<vmem>>) offsets(%dma_start3A_32 : memref<128xi32, #tpu.memory_space<vmem>>) semaphore(%arg7 : memref<!tpu.dma_semaphore, #tpu.memory_space<semaphore_mem>>)
    %dma_start3A_36 = arith.constant 3 : i32
    %dma_start3A_37 = arith.constant 3 : i32
    %dma_start3A_38 = arith.constant 0 : i32
    %dma_start3A_39 = arith.constant 0 : i32
    %dma_start3A_40 = tpu.memref_slice %arg6[%dma_start3A_37, %dma_start3A_38, %dma_start3A_39] : memref<6x128x128xf32, #tpu.memory_space<vmem>> -> memref<1x128x128xf32, #tpu.memory_space<vmem>>
    %dma_start3A_41 = tpu.memref_squeeze %dma_start3A_40 : memref<1x128x128xf32, #tpu.memory_space<vmem>> -> memref<128x128xf32, #tpu.memory_space<vmem>>
    %dma_start3A_42 = arith.constant 0 : i32
    %dma_start3A_43 = tpu.memref_slice %arg5[%dma_start3A_36, %dma_start3A_42] : memref<6x128xi32, #tpu.memory_space<vmem>> -> memref<1x128xi32, #tpu.memory_space<vmem>>
    %dma_start3A_44 = tpu.memref_squeeze %dma_start3A_43 : memref<1x128xi32, #tpu.memory_space<vmem>> -> memref<128xi32, #tpu.memory_space<vmem>>
    %dma_start3A_45 = arith.constant 0 : i32
    %dma_start3A_46 = arith.constant 0 : i32
    %dma_start3A_47 = tpu.memref_slice %arg2[%dma_start3A_45, %dma_start3A_46] : memref<2048x128xf32, #tpu.memory_space<hbm>> -> memref<2048x128xf32, #tpu.memory_space<hbm>>
    tpu.enqueue_indirect_dma source(%dma_start3A_47 : memref<2048x128xf32, #tpu.memory_space<hbm>>) target(%dma_start3A_41 : memref<128x128xf32, #tpu.memory_space<vmem>>) offsets(%dma_start3A_44 : memref<128xi32, #tpu.memory_space<vmem>>) semaphore(%arg7 : memref<!tpu.dma_semaphore, #tpu.memory_space<semaphore_mem>>)
    %dma_start3A_48 = arith.constant 4 : i32
    %dma_start3A_49 = arith.constant 4 : i32
    %dma_start3A_50 = arith.constant 0 : i32
    %dma_start3A_51 = arith.constant 0 : i32
    %dma_start3A_52 = tpu.memref_slice %arg6[%dma_start3A_49, %dma_start3A_50, %dma_start3A_51] : memref<6x128x128xf32, #tpu.memory_space<vmem>> -> memref<1x128x128xf32, #tpu.memory_space<vmem>>
    %dma_start3A_53 = tpu.memref_squeeze %dma_start3A_52 : memref<1x128x128xf32, #tpu.memory_space<vmem>> -> memref<128x128xf32, #tpu.memory_space<vmem>>
    %dma_start3A_54 = arith.constant 0 : i32
    %dma_start3A_55 = tpu.memref_slice %arg5[%dma_start3A_48, %dma_start3A_54] : memref<6x128xi32, #tpu.memory_space<vmem>> -> memref<1x128xi32, #tpu.memory_space<vmem>>
    %dma_start3A_56 = tpu.memref_squeeze %dma_start3A_55 : memref<1x128xi32, #tpu.memory_space<vmem>> -> memref<128xi32, #tpu.memory_space<vmem>>
    %dma_start3A_57 = arith.constant 0 : i32
    %dma_start3A_58 = arith.constant 0 : i32
    %dma_start3A_59 = tpu.memref_slice %arg2[%dma_start3A_57, %dma_start3A_58] : memref<2048x128xf32, #tpu.memory_space<hbm>> -> memref<2048x128xf32, #tpu.memory_space<hbm>>
    tpu.enqueue_indirect_dma source(%dma_start3A_59 : memref<2048x128xf32, #tpu.memory_space<hbm>>) target(%dma_start3A_53 : memref<128x128xf32, #tpu.memory_space<vmem>>) offsets(%dma_start3A_56 : memref<128xi32, #tpu.memory_space<vmem>>) semaphore(%arg7 : memref<!tpu.dma_semaphore, #tpu.memory_space<semaphore_mem>>)
    %dma_start3A_60 = arith.constant 5 : i32
    %dma_start3A_61 = arith.constant 5 : i32
    %dma_start3A_62 = arith.constant 0 : i32
    %dma_start3A_63 = arith.constant 0 : i32
    %dma_start3A_64 = tpu.memref_slice %arg6[%dma_start3A_61, %dma_start3A_62, %dma_start3A_63] : memref<6x128x128xf32, #tpu.memory_space<vmem>> -> memref<1x128x128xf32, #tpu.memory_space<vmem>>
    %dma_start3A_65 = tpu.memref_squeeze %dma_start3A_64 : memref<1x128x128xf32, #tpu.memory_space<vmem>> -> memref<128x128xf32, #tpu.memory_space<vmem>>
    %dma_start3A_66 = arith.constant 0 : i32
    %dma_start3A_67 = tpu.memref_slice %arg5[%dma_start3A_60, %dma_start3A_66] : memref<6x128xi32, #tpu.memory_space<vmem>> -> memref<1x128xi32, #tpu.memory_space<vmem>>
    %dma_start3A_68 = tpu.memref_squeeze %dma_start3A_67 : memref<1x128xi32, #tpu.memory_space<vmem>> -> memref<128xi32, #tpu.memory_space<vmem>>
    %dma_start3A_69 = arith.constant 0 : i32
    %dma_start3A_70 = arith.constant 0 : i32
    %dma_start3A_71 = tpu.memref_slice %arg2[%dma_start3A_69, %dma_start3A_70] : memref<2048x128xf32, #tpu.memory_space<hbm>> -> memref<2048x128xf32, #tpu.memory_space<hbm>>
    tpu.enqueue_indirect_dma source(%dma_start3A_71 : memref<2048x128xf32, #tpu.memory_space<hbm>>) target(%dma_start3A_65 : memref<128x128xf32, #tpu.memory_space<vmem>>) offsets(%dma_start3A_68 : memref<128xi32, #tpu.memory_space<vmem>>) semaphore(%arg7 : memref<!tpu.dma_semaphore, #tpu.memory_space<semaphore_mem>>)
    %dma_wait3A = arith.constant 0 : i32
    %dma_wait3A_72 = arith.constant 0 : i32
    %dma_wait3A_73 = arith.constant 0 : i32
    %dma_wait3A_74 = arith.constant 0 : i32
    %dma_wait3A_75 = tpu.memref_slice %arg6[%dma_wait3A_72, %dma_wait3A_73, %dma_wait3A_74] : memref<6x128x128xf32, #tpu.memory_space<vmem>> -> memref<1x128x128xf32, #tpu.memory_space<vmem>>
    %dma_wait3A_76 = tpu.memref_squeeze %dma_wait3A_75 : memref<1x128x128xf32, #tpu.memory_space<vmem>> -> memref<128x128xf32, #tpu.memory_space<vmem>>
    %dma_wait3A_77 = arith.constant 0 : i32
    %dma_wait3A_78 = tpu.memref_slice %arg5[%dma_wait3A, %dma_wait3A_77] : memref<6x128xi32, #tpu.memory_space<vmem>> -> memref<1x128xi32, #tpu.memory_space<vmem>>
    %dma_wait3A_79 = tpu.memref_squeeze %dma_wait3A_78 : memref<1x128xi32, #tpu.memory_space<vmem>> -> memref<128xi32, #tpu.memory_space<vmem>>
    %dma_wait3A_80 = arith.constant 0 : i32
    %dma_wait3A_81 = arith.constant 0 : i32
    %dma_wait3A_82 = tpu.memref_slice %arg2[%dma_wait3A_80, %dma_wait3A_81] : memref<2048x128xf32, #tpu.memory_space<hbm>> -> memref<2048x128xf32, #tpu.memory_space<hbm>>
    tpu.wait_indirect_dma semaphore(%arg7 : memref<!tpu.dma_semaphore, #tpu.memory_space<semaphore_mem>>) src(%dma_wait3A_82 : memref<2048x128xf32, #tpu.memory_space<hbm>>) dst(%dma_wait3A_76 : memref<128x128xf32, #tpu.memory_space<vmem>>)
    %dma_wait3A_83 = arith.constant 1 : i32
    %dma_wait3A_84 = arith.constant 1 : i32
    %dma_wait3A_85 = arith.constant 0 : i32
    %dma_wait3A_86 = arith.constant 0 : i32
    %dma_wait3A_87 = tpu.memref_slice %arg6[%dma_wait3A_84, %dma_wait3A_85, %dma_wait3A_86] : memref<6x128x128xf32, #tpu.memory_space<vmem>> -> memref<1x128x128xf32, #tpu.memory_space<vmem>>
    %dma_wait3A_88 = tpu.memref_squeeze %dma_wait3A_87 : memref<1x128x128xf32, #tpu.memory_space<vmem>> -> memref<128x128xf32, #tpu.memory_space<vmem>>
    %dma_wait3A_89 = arith.constant 0 : i32
    %dma_wait3A_90 = tpu.memref_slice %arg5[%dma_wait3A_83, %dma_wait3A_89] : memref<6x128xi32, #tpu.memory_space<vmem>> -> memref<1x128xi32, #tpu.memory_space<vmem>>
    %dma_wait3A_91 = tpu.memref_squeeze %dma_wait3A_90 : memref<1x128xi32, #tpu.memory_space<vmem>> -> memref<128xi32, #tpu.memory_space<vmem>>
    %dma_wait3A_92 = arith.constant 0 : i32
    %dma_wait3A_93 = arith.constant 0 : i32
    %dma_wait3A_94 = tpu.memref_slice %arg2[%dma_wait3A_92, %dma_wait3A_93] : memref<2048x128xf32, #tpu.memory_space<hbm>> -> memref<2048x128xf32, #tpu.memory_space<hbm>>
    tpu.wait_indirect_dma semaphore(%arg7 : memref<!tpu.dma_semaphore, #tpu.memory_space<semaphore_mem>>) src(%dma_wait3A_94 : memref<2048x128xf32, #tpu.memory_space<hbm>>) dst(%dma_wait3A_88 : memref<128x128xf32, #tpu.memory_space<vmem>>)
    %dma_wait3A_95 = arith.constant 2 : i32
    %dma_wait3A_96 = arith.constant 2 : i32
    %dma_wait3A_97 = arith.constant 0 : i32
    %dma_wait3A_98 = arith.constant 0 : i32
    %dma_wait3A_99 = tpu.memref_slice %arg6[%dma_wait3A_96, %dma_wait3A_97, %dma_wait3A_98] : memref<6x128x128xf32, #tpu.memory_space<vmem>> -> memref<1x128x128xf32, #tpu.memory_space<vmem>>
    %dma_wait3A_100 = tpu.memref_squeeze %dma_wait3A_99 : memref<1x128x128xf32, #tpu.memory_space<vmem>> -> memref<128x128xf32, #tpu.memory_space<vmem>>
    %dma_wait3A_101 = arith.constant 0 : i32
    %dma_wait3A_102 = tpu.memref_slice %arg5[%dma_wait3A_95, %dma_wait3A_101] : memref<6x128xi32, #tpu.memory_space<vmem>> -> memref<1x128xi32, #tpu.memory_space<vmem>>
    %dma_wait3A_103 = tpu.memref_squeeze %dma_wait3A_102 : memref<1x128xi32, #tpu.memory_space<vmem>> -> memref<128xi32, #tpu.memory_space<vmem>>
    %dma_wait3A_104 = arith.constant 0 : i32
    %dma_wait3A_105 = arith.constant 0 : i32
    %dma_wait3A_106 = tpu.memref_slice %arg2[%dma_wait3A_104, %dma_wait3A_105] : memref<2048x128xf32, #tpu.memory_space<hbm>> -> memref<2048x128xf32, #tpu.memory_space<hbm>>
    tpu.wait_indirect_dma semaphore(%arg7 : memref<!tpu.dma_semaphore, #tpu.memory_space<semaphore_mem>>) src(%dma_wait3A_106 : memref<2048x128xf32, #tpu.memory_space<hbm>>) dst(%dma_wait3A_100 : memref<128x128xf32, #tpu.memory_space<vmem>>)
    %dma_wait3A_107 = arith.constant 3 : i32
    %dma_wait3A_108 = arith.constant 3 : i32
    %dma_wait3A_109 = arith.constant 0 : i32
    %dma_wait3A_110 = arith.constant 0 : i32
    %dma_wait3A_111 = tpu.memref_slice %arg6[%dma_wait3A_108, %dma_wait3A_109, %dma_wait3A_110] : memref<6x128x128xf32, #tpu.memory_space<vmem>> -> memref<1x128x128xf32, #tpu.memory_space<vmem>>
    %dma_wait3A_112 = tpu.memref_squeeze %dma_wait3A_111 : memref<1x128x128xf32, #tpu.memory_space<vmem>> -> memref<128x128xf32, #tpu.memory_space<vmem>>
    %dma_wait3A_113 = arith.constant 0 : i32
    %dma_wait3A_114 = tpu.memref_slice %arg5[%dma_wait3A_107, %dma_wait3A_113] : memref<6x128xi32, #tpu.memory_space<vmem>> -> memref<1x128xi32, #tpu.memory_space<vmem>>
    %dma_wait3A_115 = tpu.memref_squeeze %dma_wait3A_114 : memref<1x128xi32, #tpu.memory_space<vmem>> -> memref<128xi32, #tpu.memory_space<vmem>>
    %dma_wait3A_116 = arith.constant 0 : i32
    %dma_wait3A_117 = arith.constant 0 : i32
    %dma_wait3A_118 = tpu.memref_slice %arg2[%dma_wait3A_116, %dma_wait3A_117] : memref<2048x128xf32, #tpu.memory_space<hbm>> -> memref<2048x128xf32, #tpu.memory_space<hbm>>
    tpu.wait_indirect_dma semaphore(%arg7 : memref<!tpu.dma_semaphore, #tpu.memory_space<semaphore_mem>>) src(%dma_wait3A_118 : memref<2048x128xf32, #tpu.memory_space<hbm>>) dst(%dma_wait3A_112 : memref<128x128xf32, #tpu.memory_space<vmem>>)
    %dma_wait3A_119 = arith.constant 4 : i32
    %dma_wait3A_120 = arith.constant 4 : i32
    %dma_wait3A_121 = arith.constant 0 : i32
    %dma_wait3A_122 = arith.constant 0 : i32
    %dma_wait3A_123 = tpu.memref_slice %arg6[%dma_wait3A_120, %dma_wait3A_121, %dma_wait3A_122] : memref<6x128x128xf32, #tpu.memory_space<vmem>> -> memref<1x128x128xf32, #tpu.memory_space<vmem>>
    %dma_wait3A_124 = tpu.memref_squeeze %dma_wait3A_123 : memref<1x128x128xf32, #tpu.memory_space<vmem>> -> memref<128x128xf32, #tpu.memory_space<vmem>>
    %dma_wait3A_125 = arith.constant 0 : i32
    %dma_wait3A_126 = tpu.memref_slice %arg5[%dma_wait3A_119, %dma_wait3A_125] : memref<6x128xi32, #tpu.memory_space<vmem>> -> memref<1x128xi32, #tpu.memory_space<vmem>>
    %dma_wait3A_127 = tpu.memref_squeeze %dma_wait3A_126 : memref<1x128xi32, #tpu.memory_space<vmem>> -> memref<128xi32, #tpu.memory_space<vmem>>
    %dma_wait3A_128 = arith.constant 0 : i32
    %dma_wait3A_129 = arith.constant 0 : i32
    %dma_wait3A_130 = tpu.memref_slice %arg2[%dma_wait3A_128, %dma_wait3A_129] : memref<2048x128xf32, #tpu.memory_space<hbm>> -> memref<2048x128xf32, #tpu.memory_space<hbm>>
    tpu.wait_indirect_dma semaphore(%arg7 : memref<!tpu.dma_semaphore, #tpu.memory_space<semaphore_mem>>) src(%dma_wait3A_130 : memref<2048x128xf32, #tpu.memory_space<hbm>>) dst(%dma_wait3A_124 : memref<128x128xf32, #tpu.memory_space<vmem>>)
    %dma_wait3A_131 = arith.constant 5 : i32
    %dma_wait3A_132 = arith.constant 5 : i32
    %dma_wait3A_133 = arith.constant 0 : i32
    %dma_wait3A_134 = arith.constant 0 : i32
    %dma_wait3A_135 = tpu.memref_slice %arg6[%dma_wait3A_132, %dma_wait3A_133, %dma_wait3A_134] : memref<6x128x128xf32, #tpu.memory_space<vmem>> -> memref<1x128x128xf32, #tpu.memory_space<vmem>>
    %dma_wait3A_136 = tpu.memref_squeeze %dma_wait3A_135 : memref<1x128x128xf32, #tpu.memory_space<vmem>> -> memref<128x128xf32, #tpu.memory_space<vmem>>
    %dma_wait3A_137 = arith.constant 0 : i32
    %dma_wait3A_138 = tpu.memref_slice %arg5[%dma_wait3A_131, %dma_wait3A_137] : memref<6x128xi32, #tpu.memory_space<vmem>> -> memref<1x128xi32, #tpu.memory_space<vmem>>
    %dma_wait3A_139 = tpu.memref_squeeze %dma_wait3A_138 : memref<1x128xi32, #tpu.memory_space<vmem>> -> memref<128xi32, #tpu.memory_space<vmem>>
    %dma_wait3A_140 = arith.constant 0 : i32
    %dma_wait3A_141 = arith.constant 0 : i32
    %dma_wait3A_142 = tpu.memref_slice %arg2[%dma_wait3A_140, %dma_wait3A_141] : memref<2048x128xf32, #tpu.memory_space<hbm>> -> memref<2048x128xf32, #tpu.memory_space<hbm>>
    tpu.wait_indirect_dma semaphore(%arg7 : memref<!tpu.dma_semaphore, #tpu.memory_space<semaphore_mem>>) src(%dma_wait3A_142 : memref<2048x128xf32, #tpu.memory_space<hbm>>) dst(%dma_wait3A_136 : memref<128x128xf32, #tpu.memory_space<vmem>>)
    "tpu.region"() ({
      %run_scoped3A = tpu.sem_alloc : memref<!tpu.dma_semaphore, #tpu.memory_space<semaphore_mem>>
      %dma_start3A_143 = arith.constant 0 : i32
      %dma_start3A_144 = arith.constant 0 : i32
      %dma_start3A_145 = arith.constant 0 : i32
      %dma_start3A_146 = tpu.memref_slice %arg4[%add3A, %dma_start3A_143, %dma_start3A_144, %dma_start3A_145] : memref<32x6x128x128xf32, #tpu.memory_space<hbm>> -> memref<1x6x128x128xf32, #tpu.memory_space<hbm>>
      %dma_start3A_147 = tpu.memref_squeeze %dma_start3A_146 : memref<1x6x128x128xf32, #tpu.memory_space<hbm>> -> memref<6x128x128xf32, #tpu.memory_space<hbm>>
      %dma_start3A_148 = arith.constant 0 : i32
      %dma_start3A_149 = arith.constant 0 : i32
      %dma_start3A_150 = arith.constant 0 : i32
      %dma_start3A_151 = tpu.memref_slice %arg4[%add3A, %dma_start3A_148, %dma_start3A_149, %dma_start3A_150] : memref<32x6x128x128xf32, #tpu.memory_space<hbm>> -> memref<1x6x128x128xf32, #tpu.memory_space<hbm>>
      %dma_start3A_152 = tpu.memref_squeeze %dma_start3A_151 : memref<1x6x128x128xf32, #tpu.memory_space<hbm>> -> memref<6x128x128xf32, #tpu.memory_space<hbm>>
      tpu.enqueue_dma source(%arg6 : memref<6x128x128xf32, #tpu.memory_space<vmem>>) target(%dma_start3A_152 : memref<6x128x128xf32, #tpu.memory_space<hbm>>) target_semaphore(%run_scoped3A : memref<!tpu.dma_semaphore, #tpu.memory_space<semaphore_mem>>)
      %dma_wait3A_153 = arith.constant 0 : i32
      %dma_wait3A_154 = arith.constant 0 : i32
      %dma_wait3A_155 = arith.constant 0 : i32
      %dma_wait3A_156 = tpu.memref_slice %arg4[%add3A, %dma_wait3A_153, %dma_wait3A_154, %dma_wait3A_155] : memref<32x6x128x128xf32, #tpu.memory_space<hbm>> -> memref<1x6x128x128xf32, #tpu.memory_space<hbm>>
      %dma_wait3A_157 = tpu.memref_squeeze %dma_wait3A_156 : memref<1x6x128x128xf32, #tpu.memory_space<hbm>> -> memref<6x128x128xf32, #tpu.memory_space<hbm>>
      %dma_wait3A_158 = arith.constant 0 : i32
      %dma_wait3A_159 = arith.constant 0 : i32
      %dma_wait3A_160 = arith.constant 0 : i32
      %dma_wait3A_161 = tpu.memref_slice %arg4[%add3A, %dma_wait3A_158, %dma_wait3A_159, %dma_wait3A_160] : memref<32x6x128x128xf32, #tpu.memory_space<hbm>> -> memref<1x6x128x128xf32, #tpu.memory_space<hbm>>
      %dma_wait3A_162 = tpu.memref_squeeze %dma_wait3A_161 : memref<1x6x128x128xf32, #tpu.memory_space<hbm>> -> memref<6x128x128xf32, #tpu.memory_space<hbm>>
      tpu.wait_dma2 semaphore(%run_scoped3A : memref<!tpu.dma_semaphore, #tpu.memory_space<semaphore_mem>>) src(%arg6 : memref<6x128x128xf32, #tpu.memory_space<vmem>>) dst(%dma_wait3A_162 : memref<6x128x128xf32, #tpu.memory_space<hbm>>)
      tpu.yield
    }) : () -> ()
    return
  }
}

module attributes {stable_mosaic.version = 14 : i64} {
  func.func @_prep_body(%arg0: i32, %arg1: i32, %arg2: memref<1x256x3xf32, #tpu.memory_space<vmem>>, %arg3: memref<1x2048x3xf32, #tpu.memory_space<vmem>>, %arg4: memref<1x3x256xf32, #tpu.memory_space<vmem>>, %arg5: memref<3x128xf32, #tpu.memory_space<vmem>>, %arg6: memref<1x128xf32, #tpu.memory_space<vmem>>, %arg7: memref<128x128xf32, #tpu.memory_space<vmem>>, %arg8: memref<1x256x128xf32, #tpu.memory_space<vmem>>, %arg9: memref<1x256x128xf32, #tpu.memory_space<vmem>>, %arg10: memref<1x6x256xi32, #tpu.memory_space<vmem>>) attributes {dimension_semantics = [#tpu.dimension_semantics<arbitrary>, #tpu.dimension_semantics<arbitrary>], iteration_bounds = array<i64: 2, 8>, scalar_prefetch = 0 : i64, scratch_operands = 0 : i64, tpu.core_type = #tpu.core_type<tc>, window_params = [{transform_indices = @transform_0, window_bounds = array<i64: 1, 256, 3>}, {transform_indices = @transform_1, window_bounds = array<i64: 1, 2048, 3>}, {transform_indices = @transform_2, window_bounds = array<i64: 1, 3, 256>}, {pipeline_mode = #tpu.pipeline_mode<synchronous>, transform_indices = @transform_3, window_bounds = array<i64: 3, 128>}, {pipeline_mode = #tpu.pipeline_mode<synchronous>, transform_indices = @transform_4, window_bounds = array<i64: 1, 128>}, {pipeline_mode = #tpu.pipeline_mode<synchronous>, transform_indices = @transform_5, window_bounds = array<i64: 128, 128>}, {transform_indices = @transform_6, window_bounds = array<i64: 1, 256, 128>}, {transform_indices = @transform_7, window_bounds = array<i64: 1, 256, 128>}, {transform_indices = @transform_8, window_bounds = array<i64: 1, 6, 256>}]} {
    %get3A = arith.constant 0 : index
    %get3A_0 = arith.constant 0 : index
    %get3A_1 = arith.constant 0 : index
    %get3A_2 = vector.load %arg2[%get3A, %get3A_0, %get3A_1] : memref<1x256x3xf32, #tpu.memory_space<vmem>>, vector<1x256x3xf32>
    %get3A_3 = vector.shape_cast %get3A_2 : vector<1x256x3xf32> to vector<256x3xf32>
    %slice3A = vector.extract_strided_slice %get3A_3 {offsets = [0, 0], sizes = [256, 1], strides = [1, 1]} : vector<256x3xf32> to vector<256x1xf32>
    %get3A_4 = arith.constant 0 : index
    %get3A_5 = arith.constant 0 : index
    %get3A_6 = vector.load %arg5[%get3A_4, %get3A_5] : memref<3x128xf32, #tpu.memory_space<vmem>>, vector<1x128xf32>
    %mul3A = vector.broadcast %slice3A : vector<256x1xf32> to vector<256x128xf32>
    %mul3A_7 = vector.broadcast %get3A_6 : vector<1x128xf32> to vector<256x128xf32>
    %mul3A_8 = arith.mulf %mul3A, %mul3A_7 : vector<256x128xf32>
    %slice3A_9 = vector.extract_strided_slice %get3A_3 {offsets = [0, 1], sizes = [256, 1], strides = [1, 1]} : vector<256x3xf32> to vector<256x1xf32>
    %get3A_10 = arith.constant 1 : index
    %get3A_11 = arith.constant 0 : index
    %get3A_12 = vector.load %arg5[%get3A_10, %get3A_11] : memref<3x128xf32, #tpu.memory_space<vmem>>, vector<1x128xf32>
    %mul3A_13 = vector.broadcast %slice3A_9 : vector<256x1xf32> to vector<256x128xf32>
    %mul3A_14 = vector.broadcast %get3A_12 : vector<1x128xf32> to vector<256x128xf32>
    %mul3A_15 = arith.mulf %mul3A_13, %mul3A_14 : vector<256x128xf32>
    %add3A = arith.addf %mul3A_8, %mul3A_15 : vector<256x128xf32>
    %slice3A_16 = vector.extract_strided_slice %get3A_3 {offsets = [0, 2], sizes = [256, 1], strides = [1, 1]} : vector<256x3xf32> to vector<256x1xf32>
    %get3A_17 = arith.constant 2 : index
    %get3A_18 = arith.constant 0 : index
    %get3A_19 = vector.load %arg5[%get3A_17, %get3A_18] : memref<3x128xf32, #tpu.memory_space<vmem>>, vector<1x128xf32>
    %mul3A_20 = vector.broadcast %slice3A_16 : vector<256x1xf32> to vector<256x128xf32>
    %mul3A_21 = vector.broadcast %get3A_19 : vector<1x128xf32> to vector<256x128xf32>
    %mul3A_22 = arith.mulf %mul3A_20, %mul3A_21 : vector<256x128xf32>
    %add3A_23 = arith.addf %add3A, %mul3A_22 : vector<256x128xf32>
    %get3A_24 = arith.constant 0 : index
    %get3A_25 = arith.constant 0 : index
    %get3A_26 = vector.load %arg6[%get3A_24, %get3A_25] : memref<1x128xf32, #tpu.memory_space<vmem>>, vector<1x128xf32>
    %add3A_27 = vector.broadcast %get3A_26 : vector<1x128xf32> to vector<256x128xf32>
    %add3A_28 = arith.addf %add3A_23, %add3A_27 : vector<256x128xf32>
    %swap3A = arith.constant 0 : index
    %swap3A_29 = arith.constant 0 : index
    %swap3A_30 = arith.constant 0 : index
    %swap3A_31 = vector.load %arg8[%swap3A, %swap3A_29, %swap3A_30] : memref<1x256x128xf32, #tpu.memory_space<vmem>>, vector<1x256x128xf32>
    %swap3A_32 = vector.shape_cast %swap3A_31 : vector<1x256x128xf32> to vector<256x128xf32>
    %swap3A_33 = vector.shape_cast %add3A_28 : vector<256x128xf32> to vector<1x256x128xf32>
    tpu.vector_store %arg8[%swap3A, %swap3A_29, %swap3A_30], %swap3A_33 {strides = array<i32>} : memref<1x256x128xf32, #tpu.memory_space<vmem>>, vector<1x256x128xf32>,
    %get3A_34 = arith.constant 0 : index
    %get3A_35 = arith.constant 0 : index
    %get3A_36 = vector.load %arg7[%get3A_34, %get3A_35] : memref<128x128xf32, #tpu.memory_space<vmem>>, vector<128x128xf32>
    %dot_general3A = arith.constant dense<0.000000e+00> : vector<256x128xf32>
    %dot_general3A_37 = tpu.matmul %add3A_28, %get3A_36, %dot_general3A {dimension_numbers = #tpu.dot_dimension_numbers<[1], [0], [0], [1], [0, 0, 1, 1], [], []>, transpose_lhs_hint = false} : vector<256x128xf32>, vector<128x128xf32>, vector<256x128xf32> -> vector<256x128xf32>
    %swap3A_38 = arith.constant 0 : index
    %swap3A_39 = arith.constant 0 : index
    %swap3A_40 = arith.constant 0 : index
    %swap3A_41 = vector.load %arg9[%swap3A_38, %swap3A_39, %swap3A_40] : memref<1x256x128xf32, #tpu.memory_space<vmem>>, vector<1x256x128xf32>
    %swap3A_42 = vector.shape_cast %swap3A_41 : vector<1x256x128xf32> to vector<256x128xf32>
    %swap3A_43 = vector.shape_cast %dot_general3A_37 : vector<256x128xf32> to vector<1x256x128xf32>
    tpu.vector_store %arg9[%swap3A_38, %swap3A_39, %swap3A_40], %swap3A_43 {strides = array<i32>} : memref<1x256x128xf32, #tpu.memory_space<vmem>>, vector<1x256x128xf32>,
    %get3A_44 = arith.constant 0 : index
    %get3A_45 = arith.constant 0 : index
    %get3A_46 = arith.constant 0 : index
    %get3A_47 = vector.load %arg3[%get3A_44, %get3A_45, %get3A_46] : memref<1x2048x3xf32, #tpu.memory_space<vmem>>, vector<1x2048x3xf32>
    %get3A_48 = vector.shape_cast %get3A_47 : vector<1x2048x3xf32> to vector<2048x3xf32>
    %get3A_49 = arith.constant 0 : index
    %get3A_50 = arith.constant 0 : index
    %get3A_51 = arith.constant 0 : index
    %get3A_52 = vector.load %arg4[%get3A_49, %get3A_50, %get3A_51] : memref<1x3x256xf32, #tpu.memory_space<vmem>>, vector<1x3x256xf32>
    %get3A_53 = vector.shape_cast %get3A_52 : vector<1x3x256xf32> to vector<3x256xf32>
    %slice3A_54 = vector.extract_strided_slice %get3A_48 {offsets = [0, 0], sizes = [2048, 1], strides = [1, 1]} : vector<2048x3xf32> to vector<2048x1xf32>
    %slice3A_55 = vector.extract_strided_slice %get3A_53 {offsets = [0, 0], sizes = [1, 256], strides = [1, 1]} : vector<3x256xf32> to vector<1x256xf32>
    %sub3A = vector.broadcast %slice3A_54 : vector<2048x1xf32> to vector<2048x256xf32>
    %sub3A_56 = vector.broadcast %slice3A_55 : vector<1x256xf32> to vector<2048x256xf32>
    %sub3A_57 = arith.subf %sub3A, %sub3A_56 : vector<2048x256xf32>
    %integer_pow3A = arith.mulf %sub3A_57, %sub3A_57 : vector<2048x256xf32>
    %slice3A_58 = vector.extract_strided_slice %get3A_48 {offsets = [0, 1], sizes = [2048, 1], strides = [1, 1]} : vector<2048x3xf32> to vector<2048x1xf32>
    %slice3A_59 = vector.extract_strided_slice %get3A_53 {offsets = [1, 0], sizes = [1, 256], strides = [1, 1]} : vector<3x256xf32> to vector<1x256xf32>
    %sub3A_60 = vector.broadcast %slice3A_58 : vector<2048x1xf32> to vector<2048x256xf32>
    %sub3A_61 = vector.broadcast %slice3A_59 : vector<1x256xf32> to vector<2048x256xf32>
    %sub3A_62 = arith.subf %sub3A_60, %sub3A_61 : vector<2048x256xf32>
    %integer_pow3A_63 = arith.mulf %sub3A_62, %sub3A_62 : vector<2048x256xf32>
    %add3A_64 = arith.addf %integer_pow3A, %integer_pow3A_63 : vector<2048x256xf32>
    %slice3A_65 = vector.extract_strided_slice %get3A_48 {offsets = [0, 2], sizes = [2048, 1], strides = [1, 1]} : vector<2048x3xf32> to vector<2048x1xf32>
    %slice3A_66 = vector.extract_strided_slice %get3A_53 {offsets = [2, 0], sizes = [1, 256], strides = [1, 1]} : vector<3x256xf32> to vector<1x256xf32>
    %sub3A_67 = vector.broadcast %slice3A_65 : vector<2048x1xf32> to vector<2048x256xf32>
    %sub3A_68 = vector.broadcast %slice3A_66 : vector<1x256xf32> to vector<2048x256xf32>
    %sub3A_69 = arith.subf %sub3A_67, %sub3A_68 : vector<2048x256xf32>
    %integer_pow3A_70 = arith.mulf %sub3A_69, %sub3A_69 : vector<2048x256xf32>
    %add3A_71 = arith.addf %add3A_64, %integer_pow3A_70 : vector<2048x256xf32>
    %iota3A = tpu.iota {dimensions = array<i32: 0>} : vector<2048x1xi32>
    %bitcast_convert_type3A = tpu.bitcast %add3A_71 : vector<2048x256xf32> -> vector<2048x256xi32>
    %and3A = arith.constant -2048 : i32
    %and3A_72 = vector.broadcast %and3A : i32 to vector<2048x256xi32>
    %and3A_73 = arith.andi %bitcast_convert_type3A, %and3A_72 : vector<2048x256xi32>
    %or3A = vector.broadcast %iota3A : vector<2048x1xi32> to vector<2048x256xi32>
    %or3A_74 = arith.ori %and3A_73, %or3A : vector<2048x256xi32>
    %reduce_min3A = arith.constant dense<2147483647> : vector<256xi32>
    %reduce_min3A_75 = vector.multi_reduction <minsi>, %or3A_74, %reduce_min3A [0] : vector<2048x256xi32> to vector<256xi32>
    %broadcast_in_dim3A = vector.shape_cast %reduce_min3A_75 : vector<256xi32> to vector<1x256xi32>
    %and3A_76 = arith.constant 2047 : i32
    %and3A_77 = vector.broadcast %and3A_76 : i32 to vector<1x256xi32>
    %and3A_78 = arith.andi %broadcast_in_dim3A, %and3A_77 : vector<1x256xi32>
    %swap3A_79 = arith.constant 0 : index
    %swap3A_80 = arith.constant 0 : index
    %swap3A_81 = arith.constant 0 : index
    %swap3A_82 = vector.load %arg10[%swap3A_79, %swap3A_80, %swap3A_81] : memref<1x6x256xi32, #tpu.memory_space<vmem>>, vector<1x1x256xi32>
    %swap3A_83 = vector.shape_cast %swap3A_82 : vector<1x1x256xi32> to vector<1x256xi32>
    %swap3A_84 = vector.shape_cast %and3A_78 : vector<1x256xi32> to vector<1x1x256xi32>
    tpu.vector_store %arg10[%swap3A_79, %swap3A_80, %swap3A_81], %swap3A_84 {strides = array<i32>} : memref<1x6x256xi32, #tpu.memory_space<vmem>>, vector<1x1x256xi32>,
    %le3A = vector.broadcast %broadcast_in_dim3A : vector<1x256xi32> to vector<2048x256xi32>
    %le3A_85 = arith.cmpi sle, %or3A_74, %le3A : vector<2048x256xi32>
    %jit3A = arith.constant 2147483647 : i32
    %broadcast_in_dim3A_86 = vector.broadcast %jit3A : i32 to vector<2048x256xi32>
    %select_n3A = arith.select %le3A_85, %broadcast_in_dim3A_86, %or3A_74 : vector<2048x256xi1>, vector<2048x256xi32>
    %reduce_min3A_87 = arith.constant dense<2147483647> : vector<256xi32>
    %reduce_min3A_88 = vector.multi_reduction <minsi>, %select_n3A, %reduce_min3A_87 [0] : vector<2048x256xi32> to vector<256xi32>
    %broadcast_in_dim3A_89 = vector.shape_cast %reduce_min3A_88 : vector<256xi32> to vector<1x256xi32>
    %and3A_90 = arith.constant 2047 : i32
    %and3A_91 = vector.broadcast %and3A_90 : i32 to vector<1x256xi32>
    %and3A_92 = arith.andi %broadcast_in_dim3A_89, %and3A_91 : vector<1x256xi32>
    %swap3A_93 = arith.constant 0 : index
    %swap3A_94 = arith.constant 1 : index
    %swap3A_95 = arith.constant 0 : index
    %swap3A_96 = vector.load %arg10[%swap3A_93, %swap3A_94, %swap3A_95] : memref<1x6x256xi32, #tpu.memory_space<vmem>>, vector<1x1x256xi32>
    %swap3A_97 = vector.shape_cast %swap3A_96 : vector<1x1x256xi32> to vector<1x256xi32>
    %swap3A_98 = vector.shape_cast %and3A_92 : vector<1x256xi32> to vector<1x1x256xi32>
    tpu.vector_store %arg10[%swap3A_93, %swap3A_94, %swap3A_95], %swap3A_98 {strides = array<i32>} : memref<1x6x256xi32, #tpu.memory_space<vmem>>, vector<1x1x256xi32>,
    %le3A_99 = vector.broadcast %broadcast_in_dim3A_89 : vector<1x256xi32> to vector<2048x256xi32>
    %le3A_100 = arith.cmpi sle, %select_n3A, %le3A_99 : vector<2048x256xi32>
    %jit3A_101 = arith.constant 2147483647 : i32
    %broadcast_in_dim3A_102 = vector.broadcast %jit3A_101 : i32 to vector<2048x256xi32>
    %select_n3A_103 = arith.select %le3A_100, %broadcast_in_dim3A_102, %select_n3A : vector<2048x256xi1>, vector<2048x256xi32>
    %reduce_min3A_104 = arith.constant dense<2147483647> : vector<256xi32>
    %reduce_min3A_105 = vector.multi_reduction <minsi>, %select_n3A_103, %reduce_min3A_104 [0] : vector<2048x256xi32> to vector<256xi32>
    %broadcast_in_dim3A_106 = vector.shape_cast %reduce_min3A_105 : vector<256xi32> to vector<1x256xi32>
    %and3A_107 = arith.constant 2047 : i32
    %and3A_108 = vector.broadcast %and3A_107 : i32 to vector<1x256xi32>
    %and3A_109 = arith.andi %broadcast_in_dim3A_106, %and3A_108 : vector<1x256xi32>
    %swap3A_110 = arith.constant 0 : index
    %swap3A_111 = arith.constant 2 : index
    %swap3A_112 = arith.constant 0 : index
    %swap3A_113 = vector.load %arg10[%swap3A_110, %swap3A_111, %swap3A_112] : memref<1x6x256xi32, #tpu.memory_space<vmem>>, vector<1x1x256xi32>
    %swap3A_114 = vector.shape_cast %swap3A_113 : vector<1x1x256xi32> to vector<1x256xi32>
    %swap3A_115 = vector.shape_cast %and3A_109 : vector<1x256xi32> to vector<1x1x256xi32>
    tpu.vector_store %arg10[%swap3A_110, %swap3A_111, %swap3A_112], %swap3A_115 {strides = array<i32>} : memref<1x6x256xi32, #tpu.memory_space<vmem>>, vector<1x1x256xi32>,
    %le3A_116 = vector.broadcast %broadcast_in_dim3A_106 : vector<1x256xi32> to vector<2048x256xi32>
    %le3A_117 = arith.cmpi sle, %select_n3A_103, %le3A_116 : vector<2048x256xi32>
    %jit3A_118 = arith.constant 2147483647 : i32
    %broadcast_in_dim3A_119 = vector.broadcast %jit3A_118 : i32 to vector<2048x256xi32>
    %select_n3A_120 = arith.select %le3A_117, %broadcast_in_dim3A_119, %select_n3A_103 : vector<2048x256xi1>, vector<2048x256xi32>
    %reduce_min3A_121 = arith.constant dense<2147483647> : vector<256xi32>
    %reduce_min3A_122 = vector.multi_reduction <minsi>, %select_n3A_120, %reduce_min3A_121 [0] : vector<2048x256xi32> to vector<256xi32>
    %broadcast_in_dim3A_123 = vector.shape_cast %reduce_min3A_122 : vector<256xi32> to vector<1x256xi32>
    %and3A_124 = arith.constant 2047 : i32
    %and3A_125 = vector.broadcast %and3A_124 : i32 to vector<1x256xi32>
    %and3A_126 = arith.andi %broadcast_in_dim3A_123, %and3A_125 : vector<1x256xi32>
    %swap3A_127 = arith.constant 0 : index
    %swap3A_128 = arith.constant 3 : index
    %swap3A_129 = arith.constant 0 : index
    %swap3A_130 = vector.load %arg10[%swap3A_127, %swap3A_128, %swap3A_129] : memref<1x6x256xi32, #tpu.memory_space<vmem>>, vector<1x1x256xi32>
    %swap3A_131 = vector.shape_cast %swap3A_130 : vector<1x1x256xi32> to vector<1x256xi32>
    %swap3A_132 = vector.shape_cast %and3A_126 : vector<1x256xi32> to vector<1x1x256xi32>
    tpu.vector_store %arg10[%swap3A_127, %swap3A_128, %swap3A_129], %swap3A_132 {strides = array<i32>} : memref<1x6x256xi32, #tpu.memory_space<vmem>>, vector<1x1x256xi32>,
    %le3A_133 = vector.broadcast %broadcast_in_dim3A_123 : vector<1x256xi32> to vector<2048x256xi32>
    %le3A_134 = arith.cmpi sle, %select_n3A_120, %le3A_133 : vector<2048x256xi32>
    %jit3A_135 = arith.constant 2147483647 : i32
    %broadcast_in_dim3A_136 = vector.broadcast %jit3A_135 : i32 to vector<2048x256xi32>
    %select_n3A_137 = arith.select %le3A_134, %broadcast_in_dim3A_136, %select_n3A_120 : vector<2048x256xi1>, vector<2048x256xi32>
    %reduce_min3A_138 = arith.constant dense<2147483647> : vector<256xi32>
    %reduce_min3A_139 = vector.multi_reduction <minsi>, %select_n3A_137, %reduce_min3A_138 [0] : vector<2048x256xi32> to vector<256xi32>
    %broadcast_in_dim3A_140 = vector.shape_cast %reduce_min3A_139 : vector<256xi32> to vector<1x256xi32>
    %and3A_141 = arith.constant 2047 : i32
    %and3A_142 = vector.broadcast %and3A_141 : i32 to vector<1x256xi32>
    %and3A_143 = arith.andi %broadcast_in_dim3A_140, %and3A_142 : vector<1x256xi32>
    %swap3A_144 = arith.constant 0 : index
    %swap3A_145 = arith.constant 4 : index
    %swap3A_146 = arith.constant 0 : index
    %swap3A_147 = vector.load %arg10[%swap3A_144, %swap3A_145, %swap3A_146] : memref<1x6x256xi32, #tpu.memory_space<vmem>>, vector<1x1x256xi32>
    %swap3A_148 = vector.shape_cast %swap3A_147 : vector<1x1x256xi32> to vector<1x256xi32>
    %swap3A_149 = vector.shape_cast %and3A_143 : vector<1x256xi32> to vector<1x1x256xi32>
    tpu.vector_store %arg10[%swap3A_144, %swap3A_145, %swap3A_146], %swap3A_149 {strides = array<i32>} : memref<1x6x256xi32, #tpu.memory_space<vmem>>, vector<1x1x256xi32>,
    %le3A_150 = vector.broadcast %broadcast_in_dim3A_140 : vector<1x256xi32> to vector<2048x256xi32>
    %le3A_151 = arith.cmpi sle, %select_n3A_137, %le3A_150 : vector<2048x256xi32>
    %jit3A_152 = arith.constant 2147483647 : i32
    %broadcast_in_dim3A_153 = vector.broadcast %jit3A_152 : i32 to vector<2048x256xi32>
    %select_n3A_154 = arith.select %le3A_151, %broadcast_in_dim3A_153, %select_n3A_137 : vector<2048x256xi1>, vector<2048x256xi32>
    %reduce_min3A_155 = arith.constant dense<2147483647> : vector<256xi32>
    %reduce_min3A_156 = vector.multi_reduction <minsi>, %select_n3A_154, %reduce_min3A_155 [0] : vector<2048x256xi32> to vector<256xi32>
    %broadcast_in_dim3A_157 = vector.shape_cast %reduce_min3A_156 : vector<256xi32> to vector<1x256xi32>
    %and3A_158 = arith.constant 2047 : i32
    %and3A_159 = vector.broadcast %and3A_158 : i32 to vector<1x256xi32>
    %and3A_160 = arith.andi %broadcast_in_dim3A_157, %and3A_159 : vector<1x256xi32>
    %swap3A_161 = arith.constant 0 : index
    %swap3A_162 = arith.constant 5 : index
    %swap3A_163 = arith.constant 0 : index
    %swap3A_164 = vector.load %arg10[%swap3A_161, %swap3A_162, %swap3A_163] : memref<1x6x256xi32, #tpu.memory_space<vmem>>, vector<1x1x256xi32>
    %swap3A_165 = vector.shape_cast %swap3A_164 : vector<1x1x256xi32> to vector<1x256xi32>
    %swap3A_166 = vector.shape_cast %and3A_160 : vector<1x256xi32> to vector<1x1x256xi32>
    tpu.vector_store %arg10[%swap3A_161, %swap3A_162, %swap3A_163], %swap3A_166 {strides = array<i32>} : memref<1x6x256xi32, #tpu.memory_space<vmem>>, vector<1x1x256xi32>,
    return
  }
  func.func @transform_0(%arg0: i32, %arg1: i32) -> (i32, i32, i32) {
    %c0_i32 = arith.constant 0 : i32
    %c0_i32_0 = arith.constant 0 : i32
    return %arg0, %arg1, %c0_i32 : i32, i32, i32
  }
  func.func @transform_1(%arg0: i32, %arg1: i32) -> (i32, i32, i32) {
    %c0_i32 = arith.constant 0 : i32
    %c0_i32_0 = arith.constant 0 : i32
    %c0_i32_1 = arith.constant 0 : i32
    return %arg0, %c0_i32, %c0_i32_0 : i32, i32, i32
  }
  func.func @transform_2(%arg0: i32, %arg1: i32) -> (i32, i32, i32) {
    %c0_i32 = arith.constant 0 : i32
    %c0_i32_0 = arith.constant 0 : i32
    return %arg0, %c0_i32, %arg1 : i32, i32, i32
  }
  func.func @transform_3(%arg0: i32, %arg1: i32) -> (i32, i32) {
    %c0_i32 = arith.constant 0 : i32
    %c0_i32_0 = arith.constant 0 : i32
    %c0_i32_1 = arith.constant 0 : i32
    return %c0_i32, %c0_i32_0 : i32, i32
  }
  func.func @transform_4(%arg0: i32, %arg1: i32) -> (i32, i32) {
    %c0_i32 = arith.constant 0 : i32
    %c0_i32_0 = arith.constant 0 : i32
    %c0_i32_1 = arith.constant 0 : i32
    return %c0_i32, %c0_i32_0 : i32, i32
  }
  func.func @transform_5(%arg0: i32, %arg1: i32) -> (i32, i32) {
    %c0_i32 = arith.constant 0 : i32
    %c0_i32_0 = arith.constant 0 : i32
    %c0_i32_1 = arith.constant 0 : i32
    return %c0_i32, %c0_i32_0 : i32, i32
  }
  func.func @transform_6(%arg0: i32, %arg1: i32) -> (i32, i32, i32) {
    %c0_i32 = arith.constant 0 : i32
    %c0_i32_0 = arith.constant 0 : i32
    return %arg0, %arg1, %c0_i32 : i32, i32, i32
  }
  func.func @transform_7(%arg0: i32, %arg1: i32) -> (i32, i32, i32) {
    %c0_i32 = arith.constant 0 : i32
    %c0_i32_0 = arith.constant 0 : i32
    return %arg0, %arg1, %c0_i32 : i32, i32, i32
  }
  func.func @transform_8(%arg0: i32, %arg1: i32) -> (i32, i32, i32) {
    %c0_i32 = arith.constant 0 : i32
    %c0_i32_0 = arith.constant 0 : i32
    return %arg0, %c0_i32, %arg1 : i32, i32, i32
  }
}

module attributes {stable_mosaic.version = 14 : i64} {
  func.func @_layer_body(%arg0: i32, %arg1: i32, %arg2: memref<1x1x256x128xf32, #tpu.memory_space<vmem>>, %arg3: memref<1x1x256x128xf32, #tpu.memory_space<vmem>>, %arg4: memref<1x1x256x128xf32, #tpu.memory_space<vmem>>, %arg5: memref<1x1x256x128xf32, #tpu.memory_space<vmem>>, %arg6: memref<1x1x256x128xf32, #tpu.memory_space<vmem>>, %arg7: memref<1x1x256x128xf32, #tpu.memory_space<vmem>>, %arg8: memref<1x256x128xf32, #tpu.memory_space<vmem>>, %arg9: memref<1x256x128xf32, #tpu.memory_space<vmem>>, %arg10: memref<1x128xf32, #tpu.memory_space<vmem>>, %arg11: memref<128x128xf32, #tpu.memory_space<vmem>>, %arg12: memref<1x128xf32, #tpu.memory_space<vmem>>, %arg13: memref<128x128xf32, #tpu.memory_space<vmem>>, %arg14: memref<1x256x128xf32, #tpu.memory_space<vmem>>, %arg15: memref<1x256x128xf32, #tpu.memory_space<vmem>>) attributes {dimension_semantics = [#tpu.dimension_semantics<arbitrary>, #tpu.dimension_semantics<arbitrary>], iteration_bounds = array<i64: 2, 8>, scalar_prefetch = 0 : i64, scratch_operands = 0 : i64, tpu.core_type = #tpu.core_type<tc>, window_params = [{transform_indices = @transform_0, window_bounds = array<i64: 1, 1, 256, 128>}, {transform_indices = @transform_1, window_bounds = array<i64: 1, 1, 256, 128>}, {transform_indices = @transform_2, window_bounds = array<i64: 1, 1, 256, 128>}, {transform_indices = @transform_3, window_bounds = array<i64: 1, 1, 256, 128>}, {transform_indices = @transform_4, window_bounds = array<i64: 1, 1, 256, 128>}, {transform_indices = @transform_5, window_bounds = array<i64: 1, 1, 256, 128>}, {transform_indices = @transform_6, window_bounds = array<i64: 1, 256, 128>}, {transform_indices = @transform_7, window_bounds = array<i64: 1, 256, 128>}, {pipeline_mode = #tpu.pipeline_mode<synchronous>, transform_indices = @transform_8, window_bounds = array<i64: 1, 128>}, {pipeline_mode = #tpu.pipeline_mode<synchronous>, transform_indices = @transform_9, window_bounds = array<i64: 128, 128>}, {pipeline_mode = #tpu.pipeline_mode<synchronous>, transform_indices = @transform_10, window_bounds = array<i64: 1, 128>}, {pipeline_mode = #tpu.pipeline_mode<synchronous>, transform_indices = @transform_11, window_bounds = array<i64: 128, 128>}, {transform_indices = @transform_12, window_bounds = array<i64: 1, 256, 128>}, {transform_indices = @transform_13, window_bounds = array<i64: 1, 256, 128>}]} {
    %get3A = arith.constant 0 : index
    %get3A_0 = arith.constant 0 : index
    %get3A_1 = vector.load %arg10[%get3A, %get3A_0] : memref<1x128xf32, #tpu.memory_space<vmem>>, vector<1x128xf32>
    %get3A_2 = arith.constant 0 : index
    %get3A_3 = arith.constant 0 : index
    %get3A_4 = arith.constant 0 : index
    %get3A_5 = vector.load %arg8[%get3A_2, %get3A_3, %get3A_4] : memref<1x256x128xf32, #tpu.memory_space<vmem>>, vector<1x256x128xf32>
    %get3A_6 = vector.shape_cast %get3A_5 : vector<1x256x128xf32> to vector<256x128xf32>
    %sub3A = vector.broadcast %get3A_1 : vector<1x128xf32> to vector<256x128xf32>
    %sub3A_7 = arith.subf %sub3A, %get3A_6 : vector<256x128xf32>
    %get3A_8 = arith.constant 0 : index
    %get3A_9 = arith.constant 0 : index
    %get3A_10 = arith.constant 0 : index
    %get3A_11 = vector.load %arg9[%get3A_8, %get3A_9, %get3A_10] : memref<1x256x128xf32, #tpu.memory_space<vmem>>, vector<1x256x128xf32>
    %get3A_12 = vector.shape_cast %get3A_11 : vector<1x256x128xf32> to vector<256x128xf32>
    %get3A_13 = arith.constant 0 : index
    %get3A_14 = arith.constant 0 : index
    %get3A_15 = arith.constant 0 : index
    %get3A_16 = arith.constant 0 : index
    %get3A_17 = vector.load %arg2[%get3A_13, %get3A_14, %get3A_15, %get3A_16] : memref<1x1x256x128xf32, #tpu.memory_space<vmem>>, vector<1x1x256x128xf32>
    %get3A_18 = vector.shape_cast %get3A_17 : vector<1x1x256x128xf32> to vector<256x128xf32>
    %add3A = arith.addf %get3A_18, %sub3A_7 : vector<256x128xf32>
    %ge3A = arith.constant 0.000000e+00 : f32
    %ge3A_19 = vector.broadcast %ge3A : f32 to vector<256x128xf32>
    %ge3A_20 = arith.cmpf oge, %add3A, %ge3A_19 : vector<256x128xf32>
    %mul3A = arith.constant 0.00999999977 : f32
    %mul3A_21 = vector.broadcast %mul3A : f32 to vector<256x128xf32>
    %mul3A_22 = arith.mulf %mul3A_21, %add3A : vector<256x128xf32>
    %select_n3A = arith.select %ge3A_20, %add3A, %mul3A_22 : vector<256x128xi1>, vector<256x128xf32>
    %add3A_23 = arith.addf %get3A_12, %select_n3A : vector<256x128xf32>
    %get3A_24 = arith.constant 0 : index
    %get3A_25 = arith.constant 0 : index
    %get3A_26 = arith.constant 0 : index
    %get3A_27 = arith.constant 0 : index
    %get3A_28 = vector.load %arg3[%get3A_24, %get3A_25, %get3A_26, %get3A_27] : memref<1x1x256x128xf32, #tpu.memory_space<vmem>>, vector<1x1x256x128xf32>
    %get3A_29 = vector.shape_cast %get3A_28 : vector<1x1x256x128xf32> to vector<256x128xf32>
    %add3A_30 = arith.addf %get3A_29, %sub3A_7 : vector<256x128xf32>
    %ge3A_31 = arith.constant 0.000000e+00 : f32
    %ge3A_32 = vector.broadcast %ge3A_31 : f32 to vector<256x128xf32>
    %ge3A_33 = arith.cmpf oge, %add3A_30, %ge3A_32 : vector<256x128xf32>
    %mul3A_34 = arith.constant 0.00999999977 : f32
    %mul3A_35 = vector.broadcast %mul3A_34 : f32 to vector<256x128xf32>
    %mul3A_36 = arith.mulf %mul3A_35, %add3A_30 : vector<256x128xf32>
    %select_n3A_37 = arith.select %ge3A_33, %add3A_30, %mul3A_36 : vector<256x128xi1>, vector<256x128xf32>
    %add3A_38 = arith.addf %add3A_23, %select_n3A_37 : vector<256x128xf32>
    %get3A_39 = arith.constant 0 : index
    %get3A_40 = arith.constant 0 : index
    %get3A_41 = arith.constant 0 : index
    %get3A_42 = arith.constant 0 : index
    %get3A_43 = vector.load %arg4[%get3A_39, %get3A_40, %get3A_41, %get3A_42] : memref<1x1x256x128xf32, #tpu.memory_space<vmem>>, vector<1x1x256x128xf32>
    %get3A_44 = vector.shape_cast %get3A_43 : vector<1x1x256x128xf32> to vector<256x128xf32>
    %add3A_45 = arith.addf %get3A_44, %sub3A_7 : vector<256x128xf32>
    %ge3A_46 = arith.constant 0.000000e+00 : f32
    %ge3A_47 = vector.broadcast %ge3A_46 : f32 to vector<256x128xf32>
    %ge3A_48 = arith.cmpf oge, %add3A_45, %ge3A_47 : vector<256x128xf32>
    %mul3A_49 = arith.constant 0.00999999977 : f32
    %mul3A_50 = vector.broadcast %mul3A_49 : f32 to vector<256x128xf32>
    %mul3A_51 = arith.mulf %mul3A_50, %add3A_45 : vector<256x128xf32>
    %select_n3A_52 = arith.select %ge3A_48, %add3A_45, %mul3A_51 : vector<256x128xi1>, vector<256x128xf32>
    %add3A_53 = arith.addf %add3A_38, %select_n3A_52 : vector<256x128xf32>
    %get3A_54 = arith.constant 0 : index
    %get3A_55 = arith.constant 0 : index
    %get3A_56 = arith.constant 0 : index
    %get3A_57 = arith.constant 0 : index
    %get3A_58 = vector.load %arg5[%get3A_54, %get3A_55, %get3A_56, %get3A_57] : memref<1x1x256x128xf32, #tpu.memory_space<vmem>>, vector<1x1x256x128xf32>
    %get3A_59 = vector.shape_cast %get3A_58 : vector<1x1x256x128xf32> to vector<256x128xf32>
    %add3A_60 = arith.addf %get3A_59, %sub3A_7 : vector<256x128xf32>
    %ge3A_61 = arith.constant 0.000000e+00 : f32
    %ge3A_62 = vector.broadcast %ge3A_61 : f32 to vector<256x128xf32>
    %ge3A_63 = arith.cmpf oge, %add3A_60, %ge3A_62 : vector<256x128xf32>
    %mul3A_64 = arith.constant 0.00999999977 : f32
    %mul3A_65 = vector.broadcast %mul3A_64 : f32 to vector<256x128xf32>
    %mul3A_66 = arith.mulf %mul3A_65, %add3A_60 : vector<256x128xf32>
    %select_n3A_67 = arith.select %ge3A_63, %add3A_60, %mul3A_66 : vector<256x128xi1>, vector<256x128xf32>
    %add3A_68 = arith.addf %add3A_53, %select_n3A_67 : vector<256x128xf32>
    %get3A_69 = arith.constant 0 : index
    %get3A_70 = arith.constant 0 : index
    %get3A_71 = arith.constant 0 : index
    %get3A_72 = arith.constant 0 : index
    %get3A_73 = vector.load %arg6[%get3A_69, %get3A_70, %get3A_71, %get3A_72] : memref<1x1x256x128xf32, #tpu.memory_space<vmem>>, vector<1x1x256x128xf32>
    %get3A_74 = vector.shape_cast %get3A_73 : vector<1x1x256x128xf32> to vector<256x128xf32>
    %add3A_75 = arith.addf %get3A_74, %sub3A_7 : vector<256x128xf32>
    %ge3A_76 = arith.constant 0.000000e+00 : f32
    %ge3A_77 = vector.broadcast %ge3A_76 : f32 to vector<256x128xf32>
    %ge3A_78 = arith.cmpf oge, %add3A_75, %ge3A_77 : vector<256x128xf32>
    %mul3A_79 = arith.constant 0.00999999977 : f32
    %mul3A_80 = vector.broadcast %mul3A_79 : f32 to vector<256x128xf32>
    %mul3A_81 = arith.mulf %mul3A_80, %add3A_75 : vector<256x128xf32>
    %select_n3A_82 = arith.select %ge3A_78, %add3A_75, %mul3A_81 : vector<256x128xi1>, vector<256x128xf32>
    %add3A_83 = arith.addf %add3A_68, %select_n3A_82 : vector<256x128xf32>
    %get3A_84 = arith.constant 0 : index
    %get3A_85 = arith.constant 0 : index
    %get3A_86 = arith.constant 0 : index
    %get3A_87 = arith.constant 0 : index
    %get3A_88 = vector.load %arg7[%get3A_84, %get3A_85, %get3A_86, %get3A_87] : memref<1x1x256x128xf32, #tpu.memory_space<vmem>>, vector<1x1x256x128xf32>
    %get3A_89 = vector.shape_cast %get3A_88 : vector<1x1x256x128xf32> to vector<256x128xf32>
    %add3A_90 = arith.addf %get3A_89, %sub3A_7 : vector<256x128xf32>
    %ge3A_91 = arith.constant 0.000000e+00 : f32
    %ge3A_92 = vector.broadcast %ge3A_91 : f32 to vector<256x128xf32>
    %ge3A_93 = arith.cmpf oge, %add3A_90, %ge3A_92 : vector<256x128xf32>
    %mul3A_94 = arith.constant 0.00999999977 : f32
    %mul3A_95 = vector.broadcast %mul3A_94 : f32 to vector<256x128xf32>
    %mul3A_96 = arith.mulf %mul3A_95, %add3A_90 : vector<256x128xf32>
    %select_n3A_97 = arith.select %ge3A_93, %add3A_90, %mul3A_96 : vector<256x128xi1>, vector<256x128xf32>
    %add3A_98 = arith.addf %add3A_83, %select_n3A_97 : vector<256x128xf32>
    %get3A_99 = arith.constant 0 : index
    %get3A_100 = arith.constant 0 : index
    %get3A_101 = vector.load %arg11[%get3A_99, %get3A_100] : memref<128x128xf32, #tpu.memory_space<vmem>>, vector<128x128xf32>
    %dot_general3A = arith.constant dense<0.000000e+00> : vector<256x128xf32>
    %dot_general3A_102 = tpu.matmul %add3A_98, %get3A_101, %dot_general3A {dimension_numbers = #tpu.dot_dimension_numbers<[1], [0], [0], [1], [0, 0, 1, 1], [], []>, transpose_lhs_hint = false} : vector<256x128xf32>, vector<128x128xf32>, vector<256x128xf32> -> vector<256x128xf32>
    %get3A_103 = arith.constant 0 : index
    %get3A_104 = arith.constant 0 : index
    %get3A_105 = vector.load %arg12[%get3A_103, %get3A_104] : memref<1x128xf32, #tpu.memory_space<vmem>>, vector<1x128xf32>
    %mul3A_106 = arith.constant 7.000000e+00 : f32
    %mul3A_107 = vector.broadcast %mul3A_106 : f32 to vector<1x128xf32>
    %mul3A_108 = arith.mulf %mul3A_107, %get3A_105 : vector<1x128xf32>
    %add3A_109 = vector.broadcast %mul3A_108 : vector<1x128xf32> to vector<256x128xf32>
    %add3A_110 = arith.addf %dot_general3A_102, %add3A_109 : vector<256x128xf32>
    %swap3A = arith.constant 0 : index
    %swap3A_111 = arith.constant 0 : index
    %swap3A_112 = arith.constant 0 : index
    %swap3A_113 = vector.load %arg14[%swap3A, %swap3A_111, %swap3A_112] : memref<1x256x128xf32, #tpu.memory_space<vmem>>, vector<1x256x128xf32>
    %swap3A_114 = vector.shape_cast %swap3A_113 : vector<1x256x128xf32> to vector<256x128xf32>
    %swap3A_115 = vector.shape_cast %add3A_110 : vector<256x128xf32> to vector<1x256x128xf32>
    tpu.vector_store %arg14[%swap3A, %swap3A_111, %swap3A_112], %swap3A_115 {strides = array<i32>} : memref<1x256x128xf32, #tpu.memory_space<vmem>>, vector<1x256x128xf32>,
    %get3A_116 = arith.constant 0 : index
    %get3A_117 = arith.constant 0 : index
    %get3A_118 = vector.load %arg13[%get3A_116, %get3A_117] : memref<128x128xf32, #tpu.memory_space<vmem>>, vector<128x128xf32>
    %dot_general3A_119 = arith.constant dense<0.000000e+00> : vector<256x128xf32>
    %dot_general3A_120 = tpu.matmul %add3A_110, %get3A_118, %dot_general3A_119 {dimension_numbers = #tpu.dot_dimension_numbers<[1], [0], [0], [1], [0, 0, 1, 1], [], []>, transpose_lhs_hint = false} : vector<256x128xf32>, vector<128x128xf32>, vector<256x128xf32> -> vector<256x128xf32>
    %swap3A_121 = arith.constant 0 : index
    %swap3A_122 = arith.constant 0 : index
    %swap3A_123 = arith.constant 0 : index
    %swap3A_124 = vector.load %arg15[%swap3A_121, %swap3A_122, %swap3A_123] : memref<1x256x128xf32, #tpu.memory_space<vmem>>, vector<1x256x128xf32>
    %swap3A_125 = vector.shape_cast %swap3A_124 : vector<1x256x128xf32> to vector<256x128xf32>
    %swap3A_126 = vector.shape_cast %dot_general3A_120 : vector<256x128xf32> to vector<1x256x128xf32>
    tpu.vector_store %arg15[%swap3A_121, %swap3A_122, %swap3A_123], %swap3A_126 {strides = array<i32>} : memref<1x256x128xf32, #tpu.memory_space<vmem>>, vector<1x256x128xf32>,
    return
  }
  func.func @transform_0(%arg0: i32, %arg1: i32) -> (i32, i32, i32, i32) {
    %c0_i32 = arith.constant 0 : i32
    %c0_i32_0 = arith.constant 0 : i32
    %c0_i32_1 = arith.constant 0 : i32
    return %arg0, %c0_i32, %arg1, %c0_i32_0 : i32, i32, i32, i32
  }
  func.func @transform_1(%arg0: i32, %arg1: i32) -> (i32, i32, i32, i32) {
    %c1_i32 = arith.constant 1 : i32
    %c0_i32 = arith.constant 0 : i32
    %c0_i32_0 = arith.constant 0 : i32
    return %arg0, %c1_i32, %arg1, %c0_i32 : i32, i32, i32, i32
  }
  func.func @transform_2(%arg0: i32, %arg1: i32) -> (i32, i32, i32, i32) {
    %c2_i32 = arith.constant 2 : i32
    %c0_i32 = arith.constant 0 : i32
    %c0_i32_0 = arith.constant 0 : i32
    return %arg0, %c2_i32, %arg1, %c0_i32 : i32, i32, i32, i32
  }
  func.func @transform_3(%arg0: i32, %arg1: i32) -> (i32, i32, i32, i32) {
    %c3_i32 = arith.constant 3 : i32
    %c0_i32 = arith.constant 0 : i32
    %c0_i32_0 = arith.constant 0 : i32
    return %arg0, %c3_i32, %arg1, %c0_i32 : i32, i32, i32, i32
  }
  func.func @transform_4(%arg0: i32, %arg1: i32) -> (i32, i32, i32, i32) {
    %c4_i32 = arith.constant 4 : i32
    %c0_i32 = arith.constant 0 : i32
    %c0_i32_0 = arith.constant 0 : i32
    return %arg0, %c4_i32, %arg1, %c0_i32 : i32, i32, i32, i32
  }
  func.func @transform_5(%arg0: i32, %arg1: i32) -> (i32, i32, i32, i32) {
    %c5_i32 = arith.constant 5 : i32
    %c0_i32 = arith.constant 0 : i32
    %c0_i32_0 = arith.constant 0 : i32
    return %arg0, %c5_i32, %arg1, %c0_i32 : i32, i32, i32, i32
  }
  func.func @transform_6(%arg0: i32, %arg1: i32) -> (i32, i32, i32) {
    %c0_i32 = arith.constant 0 : i32
    %c0_i32_0 = arith.constant 0 : i32
    return %arg0, %arg1, %c0_i32 : i32, i32, i32
  }
  func.func @transform_7(%arg0: i32, %arg1: i32) -> (i32, i32, i32) {
    %c0_i32 = arith.constant 0 : i32
    %c0_i32_0 = arith.constant 0 : i32
    return %arg0, %arg1, %c0_i32 : i32, i32, i32
  }
  func.func @transform_8(%arg0: i32, %arg1: i32) -> (i32, i32) {
    %c0_i32 = arith.constant 0 : i32
    %c0_i32_0 = arith.constant 0 : i32
    %c0_i32_1 = arith.constant 0 : i32
    return %c0_i32, %c0_i32_0 : i32, i32
  }
  func.func @transform_9(%arg0: i32, %arg1: i32) -> (i32, i32) {
    %c0_i32 = arith.constant 0 : i32
    %c0_i32_0 = arith.constant 0 : i32
    %c0_i32_1 = arith.constant 0 : i32
    return %c0_i32, %c0_i32_0 : i32, i32
  }
  func.func @transform_10(%arg0: i32, %arg1: i32) -> (i32, i32) {
    %c0_i32 = arith.constant 0 : i32
    %c0_i32_0 = arith.constant 0 : i32
    %c0_i32_1 = arith.constant 0 : i32
    return %c0_i32, %c0_i32_0 : i32, i32
  }
  func.func @transform_11(%arg0: i32, %arg1: i32) -> (i32, i32) {
    %c0_i32 = arith.constant 0 : i32
    %c0_i32_0 = arith.constant 0 : i32
    %c0_i32_1 = arith.constant 0 : i32
    return %c0_i32, %c0_i32_0 : i32, i32
  }
  func.func @transform_12(%arg0: i32, %arg1: i32) -> (i32, i32, i32) {
    %c0_i32 = arith.constant 0 : i32
    %c0_i32_0 = arith.constant 0 : i32
    return %arg0, %arg1, %c0_i32 : i32, i32, i32
  }
  func.func @transform_13(%arg0: i32, %arg1: i32) -> (i32, i32, i32) {
    %c0_i32 = arith.constant 0 : i32
    %c0_i32_0 = arith.constant 0 : i32
    return %arg0, %arg1, %c0_i32 : i32, i32, i32
  }
}

module attributes {stable_mosaic.version = 14 : i64} {
  func.func @_final_body(%arg0: i32, %arg1: i32, %arg2: memref<1x1x256x128xf32, #tpu.memory_space<vmem>>, %arg3: memref<1x1x256x128xf32, #tpu.memory_space<vmem>>, %arg4: memref<1x1x256x128xf32, #tpu.memory_space<vmem>>, %arg5: memref<1x1x256x128xf32, #tpu.memory_space<vmem>>, %arg6: memref<1x1x256x128xf32, #tpu.memory_space<vmem>>, %arg7: memref<1x1x256x128xf32, #tpu.memory_space<vmem>>, %arg8: memref<1x256x128xf32, #tpu.memory_space<vmem>>, %arg9: memref<1x256x128xf32, #tpu.memory_space<vmem>>, %arg10: memref<1x128xf32, #tpu.memory_space<vmem>>, %arg11: memref<128x128xf32, #tpu.memory_space<vmem>>, %arg12: memref<1x128xf32, #tpu.memory_space<vmem>>, %arg13: memref<2x8xf32, #tpu.memory_space<vmem>>, %arg14: memref<8x128xf32, #tpu.memory_space<vmem>>, %arg15: memref<1x128xf32, #tpu.memory_space<vmem>>, %arg16: memref<1x256x128xf32, #tpu.memory_space<vmem>>, %arg17: memref<1x1x128xf32, #tpu.memory_space<vmem>>, %arg18: memref<1x1x128xf32, #tpu.memory_space<vmem>>) attributes {dimension_semantics = [#tpu.dimension_semantics<arbitrary>, #tpu.dimension_semantics<arbitrary>], iteration_bounds = array<i64: 2, 8>, scalar_prefetch = 0 : i64, scratch_operands = 0 : i64, tpu.core_type = #tpu.core_type<tc>, window_params = [{transform_indices = @transform_0, window_bounds = array<i64: 1, 1, 256, 128>}, {transform_indices = @transform_1, window_bounds = array<i64: 1, 1, 256, 128>}, {transform_indices = @transform_2, window_bounds = array<i64: 1, 1, 256, 128>}, {transform_indices = @transform_3, window_bounds = array<i64: 1, 1, 256, 128>}, {transform_indices = @transform_4, window_bounds = array<i64: 1, 1, 256, 128>}, {transform_indices = @transform_5, window_bounds = array<i64: 1, 1, 256, 128>}, {transform_indices = @transform_6, window_bounds = array<i64: 1, 256, 128>}, {transform_indices = @transform_7, window_bounds = array<i64: 1, 256, 128>}, {pipeline_mode = #tpu.pipeline_mode<synchronous>, transform_indices = @transform_8, window_bounds = array<i64: 1, 128>}, {pipeline_mode = #tpu.pipeline_mode<synchronous>, transform_indices = @transform_9, window_bounds = array<i64: 128, 128>}, {pipeline_mode = #tpu.pipeline_mode<synchronous>, transform_indices = @transform_10, window_bounds = array<i64: 1, 128>}, {pipeline_mode = #tpu.pipeline_mode<synchronous>, transform_indices = @transform_11, window_bounds = array<i64: 2, 8>}, {pipeline_mode = #tpu.pipeline_mode<synchronous>, transform_indices = @transform_12, window_bounds = array<i64: 8, 128>}, {pipeline_mode = #tpu.pipeline_mode<synchronous>, transform_indices = @transform_13, window_bounds = array<i64: 1, 128>}, {transform_indices = @transform_14, window_bounds = array<i64: 1, 256, 128>}, {transform_indices = @transform_15, window_bounds = array<i64: 1, 1, 128>}, {transform_indices = @transform_16, window_bounds = array<i64: 1, 1, 128>}]} {
    %get3A = arith.constant 0 : index
    %get3A_0 = arith.constant 0 : index
    %get3A_1 = vector.load %arg10[%get3A, %get3A_0] : memref<1x128xf32, #tpu.memory_space<vmem>>, vector<1x128xf32>
    %get3A_2 = arith.constant 0 : index
    %get3A_3 = arith.constant 0 : index
    %get3A_4 = arith.constant 0 : index
    %get3A_5 = vector.load %arg8[%get3A_2, %get3A_3, %get3A_4] : memref<1x256x128xf32, #tpu.memory_space<vmem>>, vector<1x256x128xf32>
    %get3A_6 = vector.shape_cast %get3A_5 : vector<1x256x128xf32> to vector<256x128xf32>
    %sub3A = vector.broadcast %get3A_1 : vector<1x128xf32> to vector<256x128xf32>
    %sub3A_7 = arith.subf %sub3A, %get3A_6 : vector<256x128xf32>
    %get3A_8 = arith.constant 0 : index
    %get3A_9 = arith.constant 0 : index
    %get3A_10 = arith.constant 0 : index
    %get3A_11 = vector.load %arg9[%get3A_8, %get3A_9, %get3A_10] : memref<1x256x128xf32, #tpu.memory_space<vmem>>, vector<1x256x128xf32>
    %get3A_12 = vector.shape_cast %get3A_11 : vector<1x256x128xf32> to vector<256x128xf32>
    %get3A_13 = arith.constant 0 : index
    %get3A_14 = arith.constant 0 : index
    %get3A_15 = arith.constant 0 : index
    %get3A_16 = arith.constant 0 : index
    %get3A_17 = vector.load %arg2[%get3A_13, %get3A_14, %get3A_15, %get3A_16] : memref<1x1x256x128xf32, #tpu.memory_space<vmem>>, vector<1x1x256x128xf32>
    %get3A_18 = vector.shape_cast %get3A_17 : vector<1x1x256x128xf32> to vector<256x128xf32>
    %add3A = arith.addf %get3A_18, %sub3A_7 : vector<256x128xf32>
    %ge3A = arith.constant 0.000000e+00 : f32
    %ge3A_19 = vector.broadcast %ge3A : f32 to vector<256x128xf32>
    %ge3A_20 = arith.cmpf oge, %add3A, %ge3A_19 : vector<256x128xf32>
    %mul3A = arith.constant 0.00999999977 : f32
    %mul3A_21 = vector.broadcast %mul3A : f32 to vector<256x128xf32>
    %mul3A_22 = arith.mulf %mul3A_21, %add3A : vector<256x128xf32>
    %select_n3A = arith.select %ge3A_20, %add3A, %mul3A_22 : vector<256x128xi1>, vector<256x128xf32>
    %add3A_23 = arith.addf %get3A_12, %select_n3A : vector<256x128xf32>
    %get3A_24 = arith.constant 0 : index
    %get3A_25 = arith.constant 0 : index
    %get3A_26 = arith.constant 0 : index
    %get3A_27 = arith.constant 0 : index
    %get3A_28 = vector.load %arg3[%get3A_24, %get3A_25, %get3A_26, %get3A_27] : memref<1x1x256x128xf32, #tpu.memory_space<vmem>>, vector<1x1x256x128xf32>
    %get3A_29 = vector.shape_cast %get3A_28 : vector<1x1x256x128xf32> to vector<256x128xf32>
    %add3A_30 = arith.addf %get3A_29, %sub3A_7 : vector<256x128xf32>
    %ge3A_31 = arith.constant 0.000000e+00 : f32
    %ge3A_32 = vector.broadcast %ge3A_31 : f32 to vector<256x128xf32>
    %ge3A_33 = arith.cmpf oge, %add3A_30, %ge3A_32 : vector<256x128xf32>
    %mul3A_34 = arith.constant 0.00999999977 : f32
    %mul3A_35 = vector.broadcast %mul3A_34 : f32 to vector<256x128xf32>
    %mul3A_36 = arith.mulf %mul3A_35, %add3A_30 : vector<256x128xf32>
    %select_n3A_37 = arith.select %ge3A_33, %add3A_30, %mul3A_36 : vector<256x128xi1>, vector<256x128xf32>
    %add3A_38 = arith.addf %add3A_23, %select_n3A_37 : vector<256x128xf32>
    %get3A_39 = arith.constant 0 : index
    %get3A_40 = arith.constant 0 : index
    %get3A_41 = arith.constant 0 : index
    %get3A_42 = arith.constant 0 : index
    %get3A_43 = vector.load %arg4[%get3A_39, %get3A_40, %get3A_41, %get3A_42] : memref<1x1x256x128xf32, #tpu.memory_space<vmem>>, vector<1x1x256x128xf32>
    %get3A_44 = vector.shape_cast %get3A_43 : vector<1x1x256x128xf32> to vector<256x128xf32>
    %add3A_45 = arith.addf %get3A_44, %sub3A_7 : vector<256x128xf32>
    %ge3A_46 = arith.constant 0.000000e+00 : f32
    %ge3A_47 = vector.broadcast %ge3A_46 : f32 to vector<256x128xf32>
    %ge3A_48 = arith.cmpf oge, %add3A_45, %ge3A_47 : vector<256x128xf32>
    %mul3A_49 = arith.constant 0.00999999977 : f32
    %mul3A_50 = vector.broadcast %mul3A_49 : f32 to vector<256x128xf32>
    %mul3A_51 = arith.mulf %mul3A_50, %add3A_45 : vector<256x128xf32>
    %select_n3A_52 = arith.select %ge3A_48, %add3A_45, %mul3A_51 : vector<256x128xi1>, vector<256x128xf32>
    %add3A_53 = arith.addf %add3A_38, %select_n3A_52 : vector<256x128xf32>
    %get3A_54 = arith.constant 0 : index
    %get3A_55 = arith.constant 0 : index
    %get3A_56 = arith.constant 0 : index
    %get3A_57 = arith.constant 0 : index
    %get3A_58 = vector.load %arg5[%get3A_54, %get3A_55, %get3A_56, %get3A_57] : memref<1x1x256x128xf32, #tpu.memory_space<vmem>>, vector<1x1x256x128xf32>
    %get3A_59 = vector.shape_cast %get3A_58 : vector<1x1x256x128xf32> to vector<256x128xf32>
    %add3A_60 = arith.addf %get3A_59, %sub3A_7 : vector<256x128xf32>
    %ge3A_61 = arith.constant 0.000000e+00 : f32
    %ge3A_62 = vector.broadcast %ge3A_61 : f32 to vector<256x128xf32>
    %ge3A_63 = arith.cmpf oge, %add3A_60, %ge3A_62 : vector<256x128xf32>
    %mul3A_64 = arith.constant 0.00999999977 : f32
    %mul3A_65 = vector.broadcast %mul3A_64 : f32 to vector<256x128xf32>
    %mul3A_66 = arith.mulf %mul3A_65, %add3A_60 : vector<256x128xf32>
    %select_n3A_67 = arith.select %ge3A_63, %add3A_60, %mul3A_66 : vector<256x128xi1>, vector<256x128xf32>
    %add3A_68 = arith.addf %add3A_53, %select_n3A_67 : vector<256x128xf32>
    %get3A_69 = arith.constant 0 : index
    %get3A_70 = arith.constant 0 : index
    %get3A_71 = arith.constant 0 : index
    %get3A_72 = arith.constant 0 : index
    %get3A_73 = vector.load %arg6[%get3A_69, %get3A_70, %get3A_71, %get3A_72] : memref<1x1x256x128xf32, #tpu.memory_space<vmem>>, vector<1x1x256x128xf32>
    %get3A_74 = vector.shape_cast %get3A_73 : vector<1x1x256x128xf32> to vector<256x128xf32>
    %add3A_75 = arith.addf %get3A_74, %sub3A_7 : vector<256x128xf32>
    %ge3A_76 = arith.constant 0.000000e+00 : f32
    %ge3A_77 = vector.broadcast %ge3A_76 : f32 to vector<256x128xf32>
    %ge3A_78 = arith.cmpf oge, %add3A_75, %ge3A_77 : vector<256x128xf32>
    %mul3A_79 = arith.constant 0.00999999977 : f32
    %mul3A_80 = vector.broadcast %mul3A_79 : f32 to vector<256x128xf32>
    %mul3A_81 = arith.mulf %mul3A_80, %add3A_75 : vector<256x128xf32>
    %select_n3A_82 = arith.select %ge3A_78, %add3A_75, %mul3A_81 : vector<256x128xi1>, vector<256x128xf32>
    %add3A_83 = arith.addf %add3A_68, %select_n3A_82 : vector<256x128xf32>
    %get3A_84 = arith.constant 0 : index
    %get3A_85 = arith.constant 0 : index
    %get3A_86 = arith.constant 0 : index
    %get3A_87 = arith.constant 0 : index
    %get3A_88 = vector.load %arg7[%get3A_84, %get3A_85, %get3A_86, %get3A_87] : memref<1x1x256x128xf32, #tpu.memory_space<vmem>>, vector<1x1x256x128xf32>
    %get3A_89 = vector.shape_cast %get3A_88 : vector<1x1x256x128xf32> to vector<256x128xf32>
    %add3A_90 = arith.addf %get3A_89, %sub3A_7 : vector<256x128xf32>
    %ge3A_91 = arith.constant 0.000000e+00 : f32
    %ge3A_92 = vector.broadcast %ge3A_91 : f32 to vector<256x128xf32>
    %ge3A_93 = arith.cmpf oge, %add3A_90, %ge3A_92 : vector<256x128xf32>
    %mul3A_94 = arith.constant 0.00999999977 : f32
    %mul3A_95 = vector.broadcast %mul3A_94 : f32 to vector<256x128xf32>
    %mul3A_96 = arith.mulf %mul3A_95, %add3A_90 : vector<256x128xf32>
    %select_n3A_97 = arith.select %ge3A_93, %add3A_90, %mul3A_96 : vector<256x128xi1>, vector<256x128xf32>
    %add3A_98 = arith.addf %add3A_83, %select_n3A_97 : vector<256x128xf32>
    %get3A_99 = arith.constant 0 : index
    %get3A_100 = arith.constant 0 : index
    %get3A_101 = vector.load %arg11[%get3A_99, %get3A_100] : memref<128x128xf32, #tpu.memory_space<vmem>>, vector<128x128xf32>
    %dot_general3A = arith.constant dense<0.000000e+00> : vector<256x128xf32>
    %dot_general3A_102 = tpu.matmul %add3A_98, %get3A_101, %dot_general3A {dimension_numbers = #tpu.dot_dimension_numbers<[1], [0], [0], [1], [0, 0, 1, 1], [], []>, transpose_lhs_hint = false} : vector<256x128xf32>, vector<128x128xf32>, vector<256x128xf32> -> vector<256x128xf32>
    %get3A_103 = arith.constant 0 : index
    %get3A_104 = arith.constant 0 : index
    %get3A_105 = vector.load %arg12[%get3A_103, %get3A_104] : memref<1x128xf32, #tpu.memory_space<vmem>>, vector<1x128xf32>
    %mul3A_106 = arith.constant 7.000000e+00 : f32
    %mul3A_107 = vector.broadcast %mul3A_106 : f32 to vector<1x128xf32>
    %mul3A_108 = arith.mulf %mul3A_107, %get3A_105 : vector<1x128xf32>
    %add3A_109 = vector.broadcast %mul3A_108 : vector<1x128xf32> to vector<256x128xf32>
    %add3A_110 = arith.addf %dot_general3A_102, %add3A_109 : vector<256x128xf32>
    %ge3A_111 = arith.constant 0.000000e+00 : f32
    %ge3A_112 = vector.broadcast %ge3A_111 : f32 to vector<256x128xf32>
    %ge3A_113 = arith.cmpf oge, %add3A_110, %ge3A_112 : vector<256x128xf32>
    %mul3A_114 = arith.constant 0.00999999977 : f32
    %mul3A_115 = vector.broadcast %mul3A_114 : f32 to vector<256x128xf32>
    %mul3A_116 = arith.mulf %mul3A_115, %add3A_110 : vector<256x128xf32>
    %select_n3A_117 = arith.select %ge3A_113, %add3A_110, %mul3A_116 : vector<256x128xi1>, vector<256x128xf32>
    %swap3A = arith.constant 0 : index
    %swap3A_118 = arith.constant 0 : index
    %swap3A_119 = arith.constant 0 : index
    %swap3A_120 = vector.load %arg16[%swap3A, %swap3A_118, %swap3A_119] : memref<1x256x128xf32, #tpu.memory_space<vmem>>, vector<1x256x128xf32>
    %swap3A_121 = vector.shape_cast %swap3A_120 : vector<1x256x128xf32> to vector<256x128xf32>
    %swap3A_122 = vector.shape_cast %select_n3A_117 : vector<256x128xf32> to vector<1x256x128xf32>
    tpu.vector_store %arg16[%swap3A, %swap3A_118, %swap3A_119], %swap3A_122 {strides = array<i32>} : memref<1x256x128xf32, #tpu.memory_space<vmem>>, vector<1x256x128xf32>,
    %reduce_sum3A = arith.constant dense<0.000000e+00> : vector<128xf32>
    %reduce_sum3A_123 = vector.multi_reduction <add>, %select_n3A_117, %reduce_sum3A [0] : vector<256x128xf32> to vector<128xf32>
    %broadcast_in_dim3A = vector.shape_cast %reduce_sum3A_123 : vector<128xf32> to vector<1x128xf32>
    %eq3A = arith.constant 0 : i32
    %eq3A_124 = arith.cmpi eq, %arg1, %eq3A : i32
    %convert_element_type3A = arith.extui %eq3A_124 : i1 to i32
    %cond3A = arith.constant 0 : i32
    %cond3A_125 = arith.cmpi ne, %convert_element_type3A, %cond3A : i32
    scf.if %cond3A_125 {
      %get3A_135 = arith.index_cast %arg0 : i32 to index
      %get3A_136 = arith.constant 0 : index
      %get3A_137 = vector.load %arg13[%get3A_135, %get3A_136] : memref<2x8xf32, #tpu.memory_space<vmem>>, vector<1x8xf32>
      %get3A_138 = arith.constant 0 : index
      %get3A_139 = arith.constant 0 : index
      %get3A_140 = vector.load %arg14[%get3A_138, %get3A_139] : memref<8x128xf32, #tpu.memory_space<vmem>>, vector<8x128xf32>
      %dot_general3A_141 = arith.constant dense<0.000000e+00> : vector<1x128xf32>
      %dot_general3A_142 = tpu.matmul %get3A_137, %get3A_140, %dot_general3A_141 {dimension_numbers = #tpu.dot_dimension_numbers<[1], [0], [0], [1], [0, 0, 1, 1], [], []>, transpose_lhs_hint = false} : vector<1x8xf32>, vector<8x128xf32>, vector<1x128xf32> -> vector<1x128xf32>
      %get3A_143 = arith.constant 0 : index
      %get3A_144 = arith.constant 0 : index
      %get3A_145 = vector.load %arg15[%get3A_143, %get3A_144] : memref<1x128xf32, #tpu.memory_space<vmem>>, vector<1x128xf32>
      %add3A_146 = arith.addf %dot_general3A_142, %get3A_145 : vector<1x128xf32>
      %ge3A_147 = arith.constant 0.000000e+00 : f32
      %ge3A_148 = vector.broadcast %ge3A_147 : f32 to vector<1x128xf32>
      %ge3A_149 = arith.cmpf oge, %add3A_146, %ge3A_148 : vector<1x128xf32>
      %mul3A_150 = arith.constant 0.00999999977 : f32
      %mul3A_151 = vector.broadcast %mul3A_150 : f32 to vector<1x128xf32>
      %mul3A_152 = arith.mulf %mul3A_151, %add3A_146 : vector<1x128xf32>
      %select_n3A_153 = arith.select %ge3A_149, %add3A_146, %mul3A_152 : vector<1x128xi1>, vector<1x128xf32>
      %swap3A_154 = arith.constant 0 : index
      %swap3A_155 = arith.constant 0 : index
      %swap3A_156 = arith.constant 0 : index
      %swap3A_157 = vector.load %arg17[%swap3A_154, %swap3A_155, %swap3A_156] : memref<1x1x128xf32, #tpu.memory_space<vmem>>, vector<1x1x128xf32>
      %swap3A_158 = vector.shape_cast %swap3A_157 : vector<1x1x128xf32> to vector<1x128xf32>
      %swap3A_159 = vector.shape_cast %select_n3A_153 : vector<1x128xf32> to vector<1x1x128xf32>
      tpu.vector_store %arg17[%swap3A_154, %swap3A_155, %swap3A_156], %swap3A_159 {strides = array<i32>} : memref<1x1x128xf32, #tpu.memory_space<vmem>>, vector<1x1x128xf32>,
      %swap3A_160 = arith.constant 0 : index
      %swap3A_161 = arith.constant 0 : index
      %swap3A_162 = arith.constant 0 : index
      %swap3A_163 = vector.load %arg18[%swap3A_160, %swap3A_161, %swap3A_162] : memref<1x1x128xf32, #tpu.memory_space<vmem>>, vector<1x1x128xf32>
      %swap3A_164 = vector.shape_cast %swap3A_163 : vector<1x1x128xf32> to vector<1x128xf32>
      %swap3A_165 = vector.shape_cast %broadcast_in_dim3A : vector<1x128xf32> to vector<1x1x128xf32>
      tpu.vector_store %arg18[%swap3A_160, %swap3A_161, %swap3A_162], %swap3A_165 {strides = array<i32>} : memref<1x1x128xf32, #tpu.memory_space<vmem>>, vector<1x1x128xf32>,
    } else {
    }
    %gt3A = arith.constant 0 : i32
    %gt3A_126 = arith.cmpi sgt, %arg1, %gt3A : i32
    %convert_element_type3A_127 = arith.extui %gt3A_126 : i1 to i32
    %cond3A_128 = arith.constant 0 : i32
    %cond3A_129 = arith.cmpi ne, %convert_element_type3A_127, %cond3A_128 : i32
    scf.if %cond3A_129 {
      %get3A_135 = arith.constant 0 : index
      %get3A_136 = arith.constant 0 : index
      %get3A_137 = arith.constant 0 : index
      %get3A_138 = vector.load %arg18[%get3A_135, %get3A_136, %get3A_137] : memref<1x1x128xf32, #tpu.memory_space<vmem>>, vector<1x1x128xf32>
      %get3A_139 = vector.shape_cast %get3A_138 : vector<1x1x128xf32> to vector<1x128xf32>
      %add3A_140 = arith.addf %get3A_139, %broadcast_in_dim3A : vector<1x128xf32>
      %swap3A_141 = arith.constant 0 : index
      %swap3A_142 = arith.constant 0 : index
      %swap3A_143 = arith.constant 0 : index
      %swap3A_144 = vector.load %arg18[%swap3A_141, %swap3A_142, %swap3A_143] : memref<1x1x128xf32, #tpu.memory_space<vmem>>, vector<1x1x128xf32>
      %swap3A_145 = vector.shape_cast %swap3A_144 : vector<1x1x128xf32> to vector<1x128xf32>
      %swap3A_146 = vector.shape_cast %add3A_140 : vector<1x128xf32> to vector<1x1x128xf32>
      tpu.vector_store %arg18[%swap3A_141, %swap3A_142, %swap3A_143], %swap3A_146 {strides = array<i32>} : memref<1x1x128xf32, #tpu.memory_space<vmem>>, vector<1x1x128xf32>,
    } else {
    }
    %eq3A_130 = arith.constant 7 : i32
    %eq3A_131 = arith.cmpi eq, %arg1, %eq3A_130 : i32
    %convert_element_type3A_132 = arith.extui %eq3A_131 : i1 to i32
    %cond3A_133 = arith.constant 0 : i32
    %cond3A_134 = arith.cmpi ne, %convert_element_type3A_132, %cond3A_133 : i32
    scf.if %cond3A_134 {
      %get3A_135 = arith.constant 0 : index
      %get3A_136 = arith.constant 0 : index
      %get3A_137 = arith.constant 0 : index
      %get3A_138 = vector.load %arg18[%get3A_135, %get3A_136, %get3A_137] : memref<1x1x128xf32, #tpu.memory_space<vmem>>, vector<1x1x128xf32>
      %get3A_139 = vector.shape_cast %get3A_138 : vector<1x1x128xf32> to vector<1x128xf32>
      %get3A_140 = arith.constant 0 : index
      %get3A_141 = arith.constant 0 : index
      %get3A_142 = arith.constant 0 : index
      %get3A_143 = vector.load %arg17[%get3A_140, %get3A_141, %get3A_142] : memref<1x1x128xf32, #tpu.memory_space<vmem>>, vector<1x1x128xf32>
      %get3A_144 = vector.shape_cast %get3A_143 : vector<1x1x128xf32> to vector<1x128xf32>
      %add3A_145 = arith.addf %get3A_139, %get3A_144 : vector<1x128xf32>
      %div3A = arith.constant 2.049000e+03 : f32
      %div3A_146 = vector.broadcast %div3A : f32 to vector<1x128xf32>
      %div3A_147 = arith.divf %add3A_145, %div3A_146 : vector<1x128xf32>
      %swap3A_148 = arith.constant 0 : index
      %swap3A_149 = arith.constant 0 : index
      %swap3A_150 = arith.constant 0 : index
      %swap3A_151 = vector.load %arg18[%swap3A_148, %swap3A_149, %swap3A_150] : memref<1x1x128xf32, #tpu.memory_space<vmem>>, vector<1x1x128xf32>
      %swap3A_152 = vector.shape_cast %swap3A_151 : vector<1x1x128xf32> to vector<1x128xf32>
      %swap3A_153 = vector.shape_cast %div3A_147 : vector<1x128xf32> to vector<1x1x128xf32>
      tpu.vector_store %arg18[%swap3A_148, %swap3A_149, %swap3A_150], %swap3A_153 {strides = array<i32>} : memref<1x1x128xf32, #tpu.memory_space<vmem>>, vector<1x1x128xf32>,
    } else {
    }
    return
  }
  func.func @transform_0(%arg0: i32, %arg1: i32) -> (i32, i32, i32, i32) {
    %c0_i32 = arith.constant 0 : i32
    %c0_i32_0 = arith.constant 0 : i32
    %c0_i32_1 = arith.constant 0 : i32
    return %arg0, %c0_i32, %arg1, %c0_i32_0 : i32, i32, i32, i32
  }
  func.func @transform_1(%arg0: i32, %arg1: i32) -> (i32, i32, i32, i32) {
    %c1_i32 = arith.constant 1 : i32
    %c0_i32 = arith.constant 0 : i32
    %c0_i32_0 = arith.constant 0 : i32
    return %arg0, %c1_i32, %arg1, %c0_i32 : i32, i32, i32, i32
  }
  func.func @transform_2(%arg0: i32, %arg1: i32) -> (i32, i32, i32, i32) {
    %c2_i32 = arith.constant 2 : i32
    %c0_i32 = arith.constant 0 : i32
    %c0_i32_0 = arith.constant 0 : i32
    return %arg0, %c2_i32, %arg1, %c0_i32 : i32, i32, i32, i32
  }
  func.func @transform_3(%arg0: i32, %arg1: i32) -> (i32, i32, i32, i32) {
    %c3_i32 = arith.constant 3 : i32
    %c0_i32 = arith.constant 0 : i32
    %c0_i32_0 = arith.constant 0 : i32
    return %arg0, %c3_i32, %arg1, %c0_i32 : i32, i32, i32, i32
  }
  func.func @transform_4(%arg0: i32, %arg1: i32) -> (i32, i32, i32, i32) {
    %c4_i32 = arith.constant 4 : i32
    %c0_i32 = arith.constant 0 : i32
    %c0_i32_0 = arith.constant 0 : i32
    return %arg0, %c4_i32, %arg1, %c0_i32 : i32, i32, i32, i32
  }
  func.func @transform_5(%arg0: i32, %arg1: i32) -> (i32, i32, i32, i32) {
    %c5_i32 = arith.constant 5 : i32
    %c0_i32 = arith.constant 0 : i32
    %c0_i32_0 = arith.constant 0 : i32
    return %arg0, %c5_i32, %arg1, %c0_i32 : i32, i32, i32, i32
  }
  func.func @transform_6(%arg0: i32, %arg1: i32) -> (i32, i32, i32) {
    %c0_i32 = arith.constant 0 : i32
    %c0_i32_0 = arith.constant 0 : i32
    return %arg0, %arg1, %c0_i32 : i32, i32, i32
  }
  func.func @transform_7(%arg0: i32, %arg1: i32) -> (i32, i32, i32) {
    %c0_i32 = arith.constant 0 : i32
    %c0_i32_0 = arith.constant 0 : i32
    return %arg0, %arg1, %c0_i32 : i32, i32, i32
  }
  func.func @transform_8(%arg0: i32, %arg1: i32) -> (i32, i32) {
    %c0_i32 = arith.constant 0 : i32
    %c0_i32_0 = arith.constant 0 : i32
    %c0_i32_1 = arith.constant 0 : i32
    return %c0_i32, %c0_i32_0 : i32, i32
  }
  func.func @transform_9(%arg0: i32, %arg1: i32) -> (i32, i32) {
    %c0_i32 = arith.constant 0 : i32
    %c0_i32_0 = arith.constant 0 : i32
    %c0_i32_1 = arith.constant 0 : i32
    return %c0_i32, %c0_i32_0 : i32, i32
  }
  func.func @transform_10(%arg0: i32, %arg1: i32) -> (i32, i32) {
    %c0_i32 = arith.constant 0 : i32
    %c0_i32_0 = arith.constant 0 : i32
    %c0_i32_1 = arith.constant 0 : i32
    return %c0_i32, %c0_i32_0 : i32, i32
  }
  func.func @transform_11(%arg0: i32, %arg1: i32) -> (i32, i32) {
    %c0_i32 = arith.constant 0 : i32
    %c0_i32_0 = arith.constant 0 : i32
    %c0_i32_1 = arith.constant 0 : i32
    return %c0_i32, %c0_i32_0 : i32, i32
  }
  func.func @transform_12(%arg0: i32, %arg1: i32) -> (i32, i32) {
    %c0_i32 = arith.constant 0 : i32
    %c0_i32_0 = arith.constant 0 : i32
    %c0_i32_1 = arith.constant 0 : i32
    return %c0_i32, %c0_i32_0 : i32, i32
  }
  func.func @transform_13(%arg0: i32, %arg1: i32) -> (i32, i32) {
    %c0_i32 = arith.constant 0 : i32
    %c0_i32_0 = arith.constant 0 : i32
    %c0_i32_1 = arith.constant 0 : i32
    return %c0_i32, %c0_i32_0 : i32, i32
  }
  func.func @transform_14(%arg0: i32, %arg1: i32) -> (i32, i32, i32) {
    %c0_i32 = arith.constant 0 : i32
    %c0_i32_0 = arith.constant 0 : i32
    return %arg0, %arg1, %c0_i32 : i32, i32, i32
  }
  func.func @transform_15(%arg0: i32, %arg1: i32) -> (i32, i32, i32) {
    %c0_i32 = arith.constant 0 : i32
    %c0_i32_0 = arith.constant 0 : i32
    %c0_i32_1 = arith.constant 0 : i32
    return %arg0, %c0_i32, %c0_i32_0 : i32, i32, i32
  }
  func.func @transform_16(%arg0: i32, %arg1: i32) -> (i32, i32, i32) {
    %c0_i32 = arith.constant 0 : i32
    %c0_i32_0 = arith.constant 0 : i32
    %c0_i32_1 = arith.constant 0 : i32
    return %arg0, %c0_i32, %c0_i32_0 : i32, i32, i32
  }
}

</mosaic_0001>

<sc_bundles>
// kernel: kernel.10.cloned.1.call-start
scs
__scs_entry_jumppad:
0x0: {  	(pc) =	sbr.rel $0x88, $3  }
0x1: {  	(tag) =	ssettag $0x0;
	lr =	simm.s32 $0x1  }
0x2: {  	[smem:$0x3F92] =	sst lr;
	_ =	strace $0xD0000000  }
0x3: {  	_ = 	snop  }
0x4: {  	_ = 	snop  }
0x5: {  	_ = 	snop  }
0x6: {  	_ = 	snop  }
0x7: {  	_ = 	snop  }
__scs_overlays_trampoline_lowered:
0x8: {  	[smem:$0x3FA1] =	sst s0  }
0x9: {  	[smem:$0x3FA2] =	sst s1  }
0xa: {  	[smem:$0x3FA3] =	sst s2  }
0xb: {  	[smem:$0x3FA4] =	sst s3  }
0xc: {  	[smem:$0x3FA5] =	sst s4  }
0xd: {  	[smem:$0x3FA6] =	sst s5  }
0xe: {  	[smem:$0x3FA7] =	sst s6  }
0xf: {  	[smem:$0x3FA8] =	sst s7  }
0x10: {  	[smem:$0x3FA9] =	sst s8  }
0x11: {  	[smem:$0x3FAA] =	sst s9;
	s0 =	simm.s32 @!p0 $0x0  }
0x12: {  	s1 =	sld [smem:$0x3F90];
	s0 =	simm.s32 @p0 $0x1  }
0x13: {  	[smem:$0x3FAB] =	sst s0;
	s0 =	simm.s32 @!p1 $0x0  }
0x14: {  	s2 =	sld [smem:$0x3F8F];
	s0 =	simm.s32 @p1 $0x1  }
0x15: {  	[smem:$0x3FAC] =	sst s0;
	s0 =	simm.s32 @!p2 $0x0  }
0x16: {  	s3 =	sld [smem:$0x3FDB];
	s0 =	simm.s32 @p2 $0x1  }
0x17: {  	s4 =	simm.s32 $0x1BF5;
	[smem:$0x3FAE] =	sst s0  }
0x18: {  	s0 =	sld [smem:$0x3F91];
	_ =	swait.ge [sflag:s4], $0x0  }
0x19: {  	s7 =	sld [smem:$0x3F92]  }
0x1a: {  	s8 =	sadd.s32 $0xFFFFE003, lr  }
0x1b: {  	s9 =	sadd.s32 $0xFFFFFEF7, lr;
	s5 =	simm.s32 $0xFFFFFFFF;
	p2 =	slt.u32 s8, $0xFFFFF086  }
0x1c: {  	p1 =	slt.u32 s9, $0xF7A;
	s5 =	simm.s32 @!p2 $0x0  }
0x1d: {  	s5 =	simm.s32 @p1 $0x1;
	p0 =	seq.s32 s7, s2  }
0x1e: {  	s7 =	smul.u32 @!p0 $0xF7A, s2;
	p2 =	seq.s32 @!p0 s5, $0x0  }
0x1f: {  	s9 =	smul.u32 $0xF7A, s1;
	s8 =	simm.s32 @!p0 $0x1BF5;
	p2 =	por !p2, p0  }
0x20: {  	[sflag:s8] =	ssyncset.s32 @!p0 $0xFFFFF086;
	s6 =	sadd.s32 @!p0 s3, s7;
	s7 =	simm.s32 @!p0 $0x108  }
0x21: {  	s3 =	sadd.s32 s3, s9;
	s6 =	sadd.s32 @!p0 $0x88, s6;
	s7 =	simm.s32 @p2 $0x1082  }
0x22: {  	[simem:s7], [sflag:s8] =	dma.local @!p0 [hbm:s6], $0xF7A  }
0x23: {  	s9 =	sor.u32 $0xD0000000, s2;
	s6 =	simm.s32 $0x108;
	_ =	swait.ge @!p0 [sflag:s8], $0x0  }
0x24: {  	s3 =	sadd.s32 $0x88, s3;
	s6 =	simm.s32 @!p1 $0x1082;
	[sflag:s4] =	ssyncset.s32 $0xFFFFF086  }
0x25: {  	[simem:s6], [sflag:s4] =	dma.local [hbm:s3], $0xF7A  }
0x26: {  	[smem:$0x3F92] =	sst s1;
	(tag) =	ssettag s2;
	_ =	strace s9  }
0x27: {  	s1 =	sld [smem:$0x3FA2]  }
0x28: {  	s2 =	sld [smem:$0x3FA3]  }
0x29: {  	s4 =	sld [smem:$0x3FA5]  }
0x2a: {  	p0 =	seq.s32 s5, $0x0;
	s5 =	sld [smem:$0x3FA6]  }
0x2b: {  	s6 =	sld [smem:$0x3FA7]  }
0x2c: {  	s7 =	sld [smem:$0x3FA8]  }
0x2d: {  	s3 =	simm.s32 $0x108;
	s8 =	sld [smem:$0x3FA9]  }
0x2e: {  	s3 =	simm.s32 @!p0 $0x1082;
	s9 =	sld [smem:$0x3FAA]  }
0x2f: {  	lr =	sadd.s32 s0, s3;
	s0 =	sld [smem:$0x3FA1]  }
0x30: {  	s3 =	sld [smem:$0x3FA4]  }
0x31: {  	[smem:$0x3FAD] =	sst s10  }
0x32: {  	s10 =	sld [smem:$0x3FAB];
	_ =	sdelay $0x3  }
0x33: {  	p0 =	seq.s32 s10, $0x1;
	s10 =	sld [smem:$0x3FAD];
	_ =	sdelay $0x3  }
0x34: {  	[smem:$0x3FAD] =	sst s10  }
0x35: {  	s10 =	sld [smem:$0x3FAC];
	_ =	sdelay $0x3  }
0x36: {  	p1 =	seq.s32 s10, $0x1;
	s10 =	sld [smem:$0x3FAD];
	_ =	sdelay $0x3  }
0x37: {  	[smem:$0x3FAD] =	sst s10  }
0x38: {  	s10 =	sld [smem:$0x3FAE]  }
0x39: {  	_ = 	snop;
	(pc) =	sbr.ind lr, $3  }
0x3a: {  	_ = 	snop  }
0x3b: {  	_ = 	snop  }
0x3c: {  	p2 =	seq.s32 s10, $0x1;
	s10 =	sld [smem:$0x3FAD]  }
0x3d: {  	_ =	shalt  }
0x3e: {  	_ =	shalt  }
0x3f: {  	_ =	shalt  }
0x40: {  	_ =	shalt  }
0x41: {  	_ =	shalt  }
0x42: {  	_ =	shalt  }
0x43: {  	_ =	shalt  }
0x44: {  	_ =	shalt  }
0x45: {  	_ =	shalt  }
0x46: {  	_ =	shalt  }
0x47: {  	_ =	shalt  }
0x48: {  	_ =	shalt  }
0x49: {  	_ =	shalt  }
0x4a: {  	_ =	shalt  }
0x4b: {  	_ =	shalt  }
0x4c: {  	_ =	shalt  }
0x4d: {  	_ =	shalt  }
0x4e: {  	_ =	shalt  }
0x4f: {  	_ =	shalt  }
0x50: {  	_ =	shalt  }
0x51: {  	_ =	shalt  }
0x52: {  	_ =	shalt  }
0x53: {  	_ =	shalt  }
0x54: {  	_ =	shalt  }
0x55: {  	_ =	shalt  }
0x56: {  	_ =	shalt  }
0x57: {  	_ =	shalt  }
0x58: {  	_ =	shalt  }
0x59: {  	_ =	shalt  }
0x5a: {  	_ =	shalt  }
0x5b: {  	_ =	shalt  }
0x5c: {  	_ =	shalt  }
0x5d: {  	_ =	shalt  }
0x5e: {  	_ =	shalt  }
0x5f: {  	_ =	shalt  }
0x60: {  	_ =	shalt  }
0x61: {  	_ =	shalt  }
0x62: {  	_ =	shalt  }
0x63: {  	_ =	shalt  }
0x64: {  	_ =	shalt  }
0x65: {  	_ =	shalt  }
0x66: {  	_ =	shalt  }
0x67: {  	_ =	shalt  }
0x68: {  	_ =	shalt  }
0x69: {  	_ =	shalt  }
0x6a: {  	_ =	shalt  }
0x6b: {  	_ =	shalt  }
0x6c: {  	_ =	shalt  }
0x6d: {  	_ =	shalt  }
0x6e: {  	_ =	shalt  }
0x6f: {  	_ =	shalt  }
0x70: {  	_ =	shalt  }
0x71: {  	_ =	shalt  }
0x72: {  	_ =	shalt  }
0x73: {  	_ =	shalt  }
0x74: {  	_ =	shalt  }
0x75: {  	_ =	shalt  }
0x76: {  	_ =	shalt  }
0x77: {  	_ =	shalt  }
0x78: {  	_ =	shalt  }
0x79: {  	_ =	shalt  }
0x7a: {  	_ =	shalt  }
0x7b: {  	_ =	shalt  }
0x7c: {  	_ =	shalt  }
0x7d: {  	_ =	shalt  }
0x7e: {  	_ =	shalt  }
0x7f: {  	_ =	shalt  }
0x80: {  	_ =	shalt  }
0x81: {  	_ =	shalt  }
0x82: {  	_ =	shalt  }
0x83: {  	_ =	shalt  }
0x84: {  	_ =	shalt  }
0x85: {  	_ =	shalt  }
0x86: {  	_ =	shalt  }
0x87: {  	_ =	shalt  }
.Lfunc_end0:
.L_simem_size_0:
called_computation.1_lowered:
.L_overlay_start_0:
0x88: {  	s2 =	sld [smem:$0x3FD9]  }
0x89: {  	s3 =	sld [smem:$0x3FFE];
	_ =	sdelay $0x1  }
0x8a: {  	s1 =	srdreg.scid  }
0x8b: {  	s0 =	sand.u32 $0x1, s1  }
0x8c: {  	s14 =	sshll.u32 s0, $0xA;
	s2 =	sadd.s32 s3, s2  }
0x8d: {  	s2 =	sadd.s32 s2, s14  }
0x8e: {  	[smem:$0x3FB9] =	sst s2  }
0x8f: {  	_ = 	snop  }
0x90: {  	s2 =	sld [smem:$0x3FD0];
	_ =	sdelay $0x2  }
0x91: {  	s15 =	simm.s32 $0xA;
	s4 =	simm.s32 $0x10  }
0x92: {  	[smem:s4], [sflag:s15] =	dma.local [hbm:s2], $0x1  }
0x93: {  	_ =	swait.eq [sflag:s15], $0x1  }
0x94: {  	[sflag:s15] =	ssyncset.done $0x0  }
0x95: {  	[sflag:s15] =	ssyncadd.s32 $0xFFFFFFFF  }
0x96: {  	s16 =	sld [smem:$0x10];
	(tm) =	ssettm $0x1  }
0x97: {  	s17 =	sld [smem:$0x3FFB];
	_ =	sdelay $0x3  }
0x98: {  	_ =	strace s17  }
0x99: {  	s3 =	sld [smem:$0x3FFC];
	_ =	sdelay $0x3  }
0x9a: {  	_ =	strace s3  }
0x9b: {  	s3 =	sld [smem:$0x3FFD];
	_ =	sdelay $0x3  }
0x9c: {  	_ =	strace s3  }
0x9d: {  	_ =	strace $0x8FFFFFFF  }
0x9e: {  	s18 =	sld [smem:$0x3FDB];
	_ =	sdelay $0x1  }
0x9f: {  	s19 =	simm.s32 $_scs_section_size  }
0xa0: {  	s5 =	simm.s32 $_size__tile_overlayer_lowered;
	s6 =	simm.s32 $_tile_overlayer_lowered  }
0xa1: {  	s22 =	simm.s32 $0x1BFF;
	s21 =	sshll.u32 s6, $0x1;
	s3 =	sadd.s32 s19, s18  }
0xa2: {  	s7 =	simm.s32 $0x0;
	s20 =	sshll.u32 s5, $0x1;
	s5 =	sadd.s32 s21, s3  }
0xa3: {  	[timem:s7], [sflag:s22] =	dma.local [hbm:s5], s20  }
0xa4: {  	_ =	swait.ge [sflag:s22], s20  }
0xa5: {  	s4 =	ssub.s32 $0x0, s20;
	[sflag:s22] =	ssyncset.done $0x0  }
0xa6: {  	[sflag:s22] =	ssyncadd.s32 s4;
	_ =	sdelay $0x1  }
0xa7: {  	s23 =	simm.s32 $0x1B8B  }
0xa8: {  	_ =	swait.ge [sflag:s23], $0x1  }
0xa9: {  	[sflag:s23] =	ssyncset.done $0x0  }
0xaa: {  	s25 =	simm.s32 $0x1B8E;
	s24 =	sld [smem:$0x3FFE];
	[sflag:s23] =	ssyncadd.s32 $0xFFFFFFFF  }
0xab: {  	s26 =	simm.s32 $execute0_lowered;
	[smem:$0x3FD2] =	sst s25  }
0xac: {  	s5 =	sshll.u32 s26, $0x1;
	_ =	strace $0x80000049;
	[dreg:$0x1] =	wrdreg $0xFFFFFFFF  }
0xad: {  	s28 =	simm.s32 $_size_execute0_lowered;
	s3 =	sadd.s32 s3, s5;
	[dreg:$0x0] =	wrdreg $0x0  }
0xae: {  	s5 =	sshll.u32 s28, $0x1;
	[dreg:$0x2] =	wrdreg s3  }
0xaf: {  	[dreg:$0x3] =	wrdreg s5  }
0xb0: {  	[dreg:$0x4] =	wrdreg $0xC0  }
0xb1: {  	_ =	task [dreg:s7], $0x5FFFF  }
0xb2: {  	[dreg:$0x1] =	wrdreg $0xFFFFFFFF  }
0xb3: {  	[dreg:$0x0] =	wrdreg $0x60  }
0xb4: {  	[dreg:$0x2] =	wrdreg s16  }
0xb5: {  	[dreg:$0x3] =	wrdreg s24  }
0xb6: {  	[dreg:$0x4] =	wrdreg $0x9  }
0xb7: {  	_ =	task.clear_ibuf [dreg:s7], $0x5FFFF;
	_ =	strace $0x90000049  }
0xb8: {  	s29 =	simm.s32 $0x9;
	_ =	strace $0x8000004B  }
0xb9: {  	_ =	swait.ge [sflag:s29], $0x1  }
0xba: {  	[sflag:s29] =	ssyncadd.s32 $0xFFFFFFFF  }
0xbb: {  	_ =	strace $0x9000004B  }
0xbc: {  	_ =	sfence  }
0xbd: {  	s30 =	sld [smem:$0x0];
	_ =	sdelay $0x2  }
0xbe: {  	s31 =	sshll.u32 s1, $0xD;
	s1 =	sshrl.u32 s1, $0x2  }
0xbf: {  	s3 =	sand.u32 $0x4000, s31;
	s1 =	sadd.s32 s1, s30  }
0xc0: {  	s0 =	sor.u32 s3, s0;
	s1 =	sshll.u32 s1, $0x11  }
0xc1: {  	s0 =	sor.u32 s1, s0  }
0xc2: {  	s0 =	sadd.s32 $0x8F2B, s0  }
0xc3: {  	[sflag:s0] =	ssyncadd.remote.s32 $0x1  }
0xc4: {  	_ =	sfence.sel $0xFFFF  }
0xc5: {  	[dreg:$0x0] =	wrdreg $0xFFFFFFFF;
	(pc) =	sbr.abs _section_cstart, $3  }
0xc6: {  	[dreg:$0x1] =	wrdreg $0xFFFFFFFF  }
0xc7: {  	_ =	task.clear_ibuf [dreg:s7], $0x2FFFF;
	_ =	strace $0x9FFFFFFF  }
0xc8: {  	(tm) =	ssettm $0x7FFFFFFF  }
0xc9: {  	_ =	shalt  }
tec
execute0_lowered:
.L_overlay_start_1:
0x0: {  	(tag) =	ssettag $0x1  }
0x1: {  	s1 =	srdreg.scid;
	s0 =	stileid.u32  }
0x2: {  	s2 =	rddreg [dreg:$0x0];
	s18 =	sand.u32 $0x1, s1;
	s29 =	sshll.u32 s0, $0x1  }
0x3: {  	s19 =	rddreg [dreg:$0x1];
	s20 =	sor.u32 s18, s29  }
0x4: {  	s3 =	simm.s32 $0x0;
	s1 =	rddreg [dreg:$0x2];
	s4 =	sshll.u32 s20, $0x7  }
0x5: {  	[smem:$0x7FF] =	sst s3;
	s4 =	sadd.s32 s4, s19  }
0x6: {  	_ =	strace $0x8000004A;
	s5 =	sadd.s32 $0x2E00, s4;
	s4 =	simm.s32 $0x2  }
0x7: {  	[tilespmem:s3], [sflag:$0x2] =	stream.linear.gather [hbm4b:s5+s3], $0x300, $0x38;
	[tilespmem:$0x18400] =	vst v63  }
0x8: {  	_ =	swait.ge [sflag:s4], $0x300  }
0x9: {  	[sflag:s4] =	ssyncset.done $0x0  }
0xa: {  	s6 =	simm.s32 $0x80;
	s7 =	simm.s32 $0x400;
	[sflag:s4] =	ssyncadd.s32 $0xFFFFFD00  }
0xb: {  	[tilespmem:s7], [sflag:$0x1] =	stream.indirect.gather [hbm4b:s2+s6], $0x80, s3, s6, $0xb8;
	[tilespmem:$0x18400] =	vst v63  }
0xc: {  	s8 =	simm.s32 $0x4400  }
0xd: {  	[tilespmem:s8], [sflag:$0x1] =	stream.indirect.gather [hbm4b:s2+s6], $0x80, s6, s6, $0xb8;
	[tilespmem:$0x18400] =	vst v63  }
0xe: {  	s9 =	simm.s32 $0x100;
	s10 =	simm.s32 $0x8400  }
0xf: {  	[tilespmem:s10], [sflag:$0x1] =	stream.indirect.gather [hbm4b:s2+s6], $0x80, s9, s6, $0xb8;
	[tilespmem:$0x18400] =	vst v63  }
0x10: {  	s11 =	simm.s32 $0x180;
	s12 =	simm.s32 $0xC400  }
0x11: {  	[tilespmem:s12], [sflag:$0x1] =	stream.indirect.gather [hbm4b:s2+s6], $0x80, s11, s6, $0xb8;
	[tilespmem:$0x18400] =	vst v63  }
0x12: {  	s13 =	simm.s32 $0x200;
	s14 =	simm.s32 $0x10400  }
0x13: {  	[tilespmem:s14], [sflag:$0x1] =	stream.indirect.gather [hbm4b:s2+s6], $0x80, s13, s6, $0xb8;
	[tilespmem:$0x18400] =	vst v63  }
0x14: {  	s15 =	simm.s32 $0x280;
	s16 =	simm.s32 $0x14400;
	s17 =	simm.s32 $0x1  }
0x15: {  	[tilespmem:s16], [sflag:$0x1] =	stream.indirect.gather [hbm4b:s2+s6], $0x80, s15, s6, $0xb8;
	[tilespmem:$0x18400] =	vst v63  }
0x16: {  	_ =	swait.ge [sflag:s17], $0x4000  }
0x17: {  	[sflag:s17] =	ssyncset.done $0x0  }
0x18: {  	[sflag:s17] =	ssyncadd.s32 $0xFFFFC000  }
0x19: {  	_ =	swait.ge [sflag:s17], $0x4000  }
0x1a: {  	[sflag:s17] =	ssyncset.done $0x0  }
0x1b: {  	[sflag:s17] =	ssyncadd.s32 $0xFFFFC000  }
0x1c: {  	_ =	swait.ge [sflag:s17], $0x4000  }
0x1d: {  	[sflag:s17] =	ssyncset.done $0x0  }
0x1e: {  	[sflag:s17] =	ssyncadd.s32 $0xFFFFC000  }
0x1f: {  	_ =	swait.ge [sflag:s17], $0x4000  }
0x20: {  	[sflag:s17] =	ssyncset.done $0x0  }
0x21: {  	s18 =	ssub.s32 $0x2, s18;
	[sflag:s17] =	ssyncadd.s32 $0xFFFFC000  }
0x22: {  	s21 =	sshrl.u32 s18, $0x1;
	_ =	swait.ge [sflag:s17], $0x4000  }
0x23: {  	s30 =	ssub.s32 s18, s21;
	[sflag:s17] =	ssyncset.done $0x0  }
0x24: {  	s20 =	smul.u32 $0x3000, s20;
	s31 =	smax.u32 s30, $0x1;
	[sflag:s17] =	ssyncadd.s32 $0xFFFFC000  }
0x25: {  	p0 =	sne.s32 s31, $0x1;
	_ =	swait.ge [sflag:s17], $0x4000  }
.Ltmp0:
0x26: {  	s19 =	sadd.s32 s20, s19;
	[sflag:s17] =	ssyncset.done $0x0;
	(pc) =	sbr.rel @!p0 .LBB2_2-.Ltmp0, $4  }
0x27: {  	s18 =	sadd.s32 $0x3E00, s19;
	[sflag:s17] =	ssyncadd.s32 $0xFFFFC000  }
0x28: {  	[hbm4b:s18+s3] =	stream.linear.scatter [tilespmem:s7], [sflag:$0x2], $0x18000, $0x38;
	[tilespmem:$0x18400] =	vst v63  }
0x29: {  	_ =	swait.ge [sflag:s4], $0x18000  }
0x2a: {  	s19 =	sadd.s32 $0xFFFFFFFF, s31;
	[sflag:s4] =	ssyncset.done $0x0  }
.LBB2_1:
0x2b: {  	p0 =	sne.s32 s19, $0x1;
	s19 =	sadd.s32 $0xFFFFFFFF, s19;
	[sflag:s4] =	ssyncadd.s32 $0xFFFE8000  }
0x2c: {  	[tilespmem:s3], [sflag:$0x2] =	stream.linear.gather [hbm4b:s5+s3], $0x300, $0x38;
	[tilespmem:$0x18400] =	vst v63  }
0x2d: {  	_ =	swait.ge [sflag:s4], $0x300  }
0x2e: {  	[sflag:s4] =	ssyncset.done $0x0  }
0x2f: {  	[sflag:s4] =	ssyncadd.s32 $0xFFFFFD00  }
0x30: {  	[tilespmem:s7], [sflag:$0x1] =	stream.indirect.gather [hbm4b:s2+s6], $0x80, s3, s6, $0xb8;
	[tilespmem:$0x18400] =	vst v63  }
0x31: {  	_ = 	snop  }
0x32: {  	[tilespmem:s8], [sflag:$0x1] =	stream.indirect.gather [hbm4b:s2+s6], $0x80, s6, s6, $0xb8;
	[tilespmem:$0x18400] =	vst v63  }
0x33: {  	_ = 	snop  }
0x34: {  	[tilespmem:s10], [sflag:$0x1] =	stream.indirect.gather [hbm4b:s2+s6], $0x80, s9, s6, $0xb8;
	[tilespmem:$0x18400] =	vst v63  }
0x35: {  	_ = 	snop  }
0x36: {  	[tilespmem:s12], [sflag:$0x1] =	stream.indirect.gather [hbm4b:s2+s6], $0x80, s11, s6, $0xb8;
	[tilespmem:$0x18400] =	vst v63  }
0x37: {  	_ = 	snop  }
0x38: {  	[tilespmem:s14], [sflag:$0x1] =	stream.indirect.gather [hbm4b:s2+s6], $0x80, s13, s6, $0xb8;
	[tilespmem:$0x18400] =	vst v63  }
0x39: {  	_ = 	snop  }
0x3a: {  	[tilespmem:s16], [sflag:$0x1] =	stream.indirect.gather [hbm4b:s2+s6], $0x80, s15, s6, $0xb8;
	[tilespmem:$0x18400] =	vst v63  }
0x3b: {  	_ =	swait.ge [sflag:s17], $0x4000  }
0x3c: {  	[sflag:s17] =	ssyncset.done $0x0  }
0x3d: {  	[sflag:s17] =	ssyncadd.s32 $0xFFFFC000  }
0x3e: {  	_ =	swait.ge [sflag:s17], $0x4000  }
0x3f: {  	[sflag:s17] =	ssyncset.done $0x0  }
0x40: {  	[sflag:s17] =	ssyncadd.s32 $0xFFFFC000  }
0x41: {  	_ =	swait.ge [sflag:s17], $0x4000  }
0x42: {  	[sflag:s17] =	ssyncset.done $0x0  }
0x43: {  	[sflag:s17] =	ssyncadd.s32 $0xFFFFC000  }
0x44: {  	_ =	swait.ge [sflag:s17], $0x4000  }
0x45: {  	[sflag:s17] =	ssyncset.done $0x0  }
0x46: {  	[sflag:s17] =	ssyncadd.s32 $0xFFFFC000  }
0x47: {  	_ =	swait.ge [sflag:s17], $0x4000  }
0x48: {  	[sflag:s17] =	ssyncset.done $0x0  }
0x49: {  	[sflag:s17] =	ssyncadd.s32 $0xFFFFC000  }
0x4a: {  	_ =	swait.ge [sflag:s17], $0x4000  }
.Ltmp1:
0x4b: {  	[sflag:s17] =	ssyncset.done $0x0;
	(pc) =	sbr.rel @p0 .LBB2_1-.Ltmp1, $4  }
0x4c: {  	[sflag:s17] =	ssyncadd.s32 $0xFFFFC000  }
0x4d: {  	[hbm4b:s18+s3] =	stream.linear.scatter [tilespmem:s7], [sflag:$0x2], $0x18000, $0x38;
	[tilespmem:$0x18400] =	vst v63  }
0x4e: {  	_ =	swait.ge [sflag:s4], $0x18000  }
0x4f: {  	[sflag:s4] =	ssyncset.done $0x0  }
.LBB2_2:
0x50: {  	[sflag:s4] =	ssyncadd.s32 $0xFFFE8000  }
0x51: {  	_ =	sfence.sel $0x180000  }
0x52: {  	[bflag:$0x0] =	sbarrier.arrive $0xFFFF  }
0x53: {  	p0 =	sne.s32 s0, $0x0;
	_ =	strace $0x9000004A  }
0x54: {  	s0 =	sadd.s32 @!p0 $0x100000, s1;
	[bflag:$0x2] =	sbarrier.arrive $0xFFFF  }
0x55: {  	[sflag:s0] =	ssyncadd.tile.s32 @!p0 $0x1;
	_ =	shalt  }
.Lfunc_end2:
_tile_overlayer_lowered:
.L_overlay_start_2:
0x56: {  	(tag) =	ssettag $0x2  }
0x57: {  	s0 =	rddreg [dreg:$0x0];
	s2 =	stileid.u32  }
0x58: {  	s1 =	rddreg [dreg:$0x1];
	p0 =	sne.s32 s2, $0x0  }
0x59: {  	s3 =	rddreg [dreg:$0x2];
	[bflag:$0x3] =	sbarrier.arrive $0xFFFF;
	s2 =	simm.s32 @!p0 $0x1C02  }
0x5a: {  	[timem:s3], [sflag:s2] =	dma.local @!p0 [hbm:s0], s1  }
0x5b: {  	s0 =	simm.s32 @!p0 $0x2  }
0x5c: {  	_ =	swait.ge @!p0 [sflag:s0], s1  }
0x5d: {  	s1 =	ssub.s32 @!p0 $0x0, s1;
	[sflag:s0] =	ssyncset.done @!p0 $0x0  }
0x5e: {  	[sflag:s0] =	ssyncadd.s32 @!p0 s1  }
0x5f: {  	[bflag:$0x3] =	sbarrier.arrive $0xFFFF  }
0x60: {  	_ =	shalt  }

// kernel: kernel.7.cloned.1.call-start
scs
__scs_entry_jumppad:
0x0: {  	(pc) =	sbr.rel $0x88, $3  }
0x1: {  	(tag) =	ssettag $0x0;
	lr =	simm.s32 $0x1  }
0x2: {  	[smem:$0x3F92] =	sst lr;
	_ =	strace $0xD0000000  }
0x3: {  	_ = 	snop  }
0x4: {  	_ = 	snop  }
0x5: {  	_ = 	snop  }
0x6: {  	_ = 	snop  }
0x7: {  	_ = 	snop  }
__scs_overlays_trampoline_lowered:
0x8: {  	[smem:$0x3FA1] =	sst s0  }
0x9: {  	[smem:$0x3FA2] =	sst s1  }
0xa: {  	[smem:$0x3FA3] =	sst s2  }
0xb: {  	[smem:$0x3FA4] =	sst s3  }
0xc: {  	[smem:$0x3FA5] =	sst s4  }
0xd: {  	[smem:$0x3FA6] =	sst s5  }
0xe: {  	[smem:$0x3FA7] =	sst s6  }
0xf: {  	[smem:$0x3FA8] =	sst s7  }
0x10: {  	[smem:$0x3FA9] =	sst s8  }
0x11: {  	[smem:$0x3FAA] =	sst s9;
	s0 =	simm.s32 @!p0 $0x0  }
0x12: {  	s1 =	sld [smem:$0x3F90];
	s0 =	simm.s32 @p0 $0x1  }
0x13: {  	[smem:$0x3FAB] =	sst s0;
	s0 =	simm.s32 @!p1 $0x0  }
0x14: {  	s2 =	sld [smem:$0x3F8F];
	s0 =	simm.s32 @p1 $0x1  }
0x15: {  	[smem:$0x3FAC] =	sst s0;
	s0 =	simm.s32 @!p2 $0x0  }
0x16: {  	s3 =	sld [smem:$0x3FDB];
	s0 =	simm.s32 @p2 $0x1  }
0x17: {  	s4 =	simm.s32 $0x1BF5;
	[smem:$0x3FAE] =	sst s0  }
0x18: {  	s0 =	sld [smem:$0x3F91];
	_ =	swait.ge [sflag:s4], $0x0  }
0x19: {  	s7 =	sld [smem:$0x3F92]  }
0x1a: {  	s8 =	sadd.s32 $0xFFFFE003, lr  }
0x1b: {  	s9 =	sadd.s32 $0xFFFFFEF7, lr;
	s5 =	simm.s32 $0xFFFFFFFF;
	p2 =	slt.u32 s8, $0xFFFFF086  }
0x1c: {  	p1 =	slt.u32 s9, $0xF7A;
	s5 =	simm.s32 @!p2 $0x0  }
0x1d: {  	s5 =	simm.s32 @p1 $0x1;
	p0 =	seq.s32 s7, s2  }
0x1e: {  	s7 =	smul.u32 @!p0 $0xF7A, s2;
	p2 =	seq.s32 @!p0 s5, $0x0  }
0x1f: {  	s9 =	smul.u32 $0xF7A, s1;
	s8 =	simm.s32 @!p0 $0x1BF5;
	p2 =	por !p2, p0  }
0x20: {  	[sflag:s8] =	ssyncset.s32 @!p0 $0xFFFFF086;
	s6 =	sadd.s32 @!p0 s3, s7;
	s7 =	simm.s32 @!p0 $0x108  }
0x21: {  	s3 =	sadd.s32 s3, s9;
	s6 =	sadd.s32 @!p0 $0x88, s6;
	s7 =	simm.s32 @p2 $0x1082  }
0x22: {  	[simem:s7], [sflag:s8] =	dma.local @!p0 [hbm:s6], $0xF7A  }
0x23: {  	s9 =	sor.u32 $0xD0000000, s2;
	s6 =	simm.s32 $0x108;
	_ =	swait.ge @!p0 [sflag:s8], $0x0  }
0x24: {  	s3 =	sadd.s32 $0x88, s3;
	s6 =	simm.s32 @!p1 $0x1082;
	[sflag:s4] =	ssyncset.s32 $0xFFFFF086  }
0x25: {  	[simem:s6], [sflag:s4] =	dma.local [hbm:s3], $0xF7A  }
0x26: {  	[smem:$0x3F92] =	sst s1;
	(tag) =	ssettag s2;
	_ =	strace s9  }
0x27: {  	s1 =	sld [smem:$0x3FA2]  }
0x28: {  	s2 =	sld [smem:$0x3FA3]  }
0x29: {  	s4 =	sld [smem:$0x3FA5]  }
0x2a: {  	p0 =	seq.s32 s5, $0x0;
	s5 =	sld [smem:$0x3FA6]  }
0x2b: {  	s6 =	sld [smem:$0x3FA7]  }
0x2c: {  	s7 =	sld [smem:$0x3FA8]  }
0x2d: {  	s3 =	simm.s32 $0x108;
	s8 =	sld [smem:$0x3FA9]  }
0x2e: {  	s3 =	simm.s32 @!p0 $0x1082;
	s9 =	sld [smem:$0x3FAA]  }
0x2f: {  	lr =	sadd.s32 s0, s3;
	s0 =	sld [smem:$0x3FA1]  }
0x30: {  	s3 =	sld [smem:$0x3FA4]  }
0x31: {  	[smem:$0x3FAD] =	sst s10  }
0x32: {  	s10 =	sld [smem:$0x3FAB];
	_ =	sdelay $0x3  }
0x33: {  	p0 =	seq.s32 s10, $0x1;
	s10 =	sld [smem:$0x3FAD];
	_ =	sdelay $0x3  }
0x34: {  	[smem:$0x3FAD] =	sst s10  }
0x35: {  	s10 =	sld [smem:$0x3FAC];
	_ =	sdelay $0x3  }
0x36: {  	p1 =	seq.s32 s10, $0x1;
	s10 =	sld [smem:$0x3FAD];
	_ =	sdelay $0x3  }
0x37: {  	[smem:$0x3FAD] =	sst s10  }
0x38: {  	s10 =	sld [smem:$0x3FAE]  }
0x39: {  	_ = 	snop;
	(pc) =	sbr.ind lr, $3  }
0x3a: {  	_ = 	snop  }
0x3b: {  	_ = 	snop  }
0x3c: {  	p2 =	seq.s32 s10, $0x1;
	s10 =	sld [smem:$0x3FAD]  }
0x3d: {  	_ =	shalt  }
0x3e: {  	_ =	shalt  }
0x3f: {  	_ =	shalt  }
0x40: {  	_ =	shalt  }
0x41: {  	_ =	shalt  }
0x42: {  	_ =	shalt  }
0x43: {  	_ =	shalt  }
0x44: {  	_ =	shalt  }
0x45: {  	_ =	shalt  }
0x46: {  	_ =	shalt  }
0x47: {  	_ =	shalt  }
0x48: {  	_ =	shalt  }
0x49: {  	_ =	shalt  }
0x4a: {  	_ =	shalt  }
0x4b: {  	_ =	shalt  }
0x4c: {  	_ =	shalt  }
0x4d: {  	_ =	shalt  }
0x4e: {  	_ =	shalt  }
0x4f: {  	_ =	shalt  }
0x50: {  	_ =	shalt  }
0x51: {  	_ =	shalt  }
0x52: {  	_ =	shalt  }
0x53: {  	_ =	shalt  }
0x54: {  	_ =	shalt  }
0x55: {  	_ =	shalt  }
0x56: {  	_ =	shalt  }
0x57: {  	_ =	shalt  }
0x58: {  	_ =	shalt  }
0x59: {  	_ =	shalt  }
0x5a: {  	_ =	shalt  }
0x5b: {  	_ =	shalt  }
0x5c: {  	_ =	shalt  }
0x5d: {  	_ =	shalt  }
0x5e: {  	_ =	shalt  }
0x5f: {  	_ =	shalt  }
0x60: {  	_ =	shalt  }
0x61: {  	_ =	shalt  }
0x62: {  	_ =	shalt  }
0x63: {  	_ =	shalt  }
0x64: {  	_ =	shalt  }
0x65: {  	_ =	shalt  }
0x66: {  	_ =	shalt  }
0x67: {  	_ =	shalt  }
0x68: {  	_ =	shalt  }
0x69: {  	_ =	shalt  }
0x6a: {  	_ =	shalt  }
0x6b: {  	_ =	shalt  }
0x6c: {  	_ =	shalt  }
0x6d: {  	_ =	shalt  }
0x6e: {  	_ =	shalt  }
0x6f: {  	_ =	shalt  }
0x70: {  	_ =	shalt  }
0x71: {  	_ =	shalt  }
0x72: {  	_ =	shalt  }
0x73: {  	_ =	shalt  }
0x74: {  	_ =	shalt  }
0x75: {  	_ =	shalt  }
0x76: {  	_ =	shalt  }
0x77: {  	_ =	shalt  }
0x78: {  	_ =	shalt  }
0x79: {  	_ =	shalt  }
0x7a: {  	_ =	shalt  }
0x7b: {  	_ =	shalt  }
0x7c: {  	_ =	shalt  }
0x7d: {  	_ =	shalt  }
0x7e: {  	_ =	shalt  }
0x7f: {  	_ =	shalt  }
0x80: {  	_ =	shalt  }
0x81: {  	_ =	shalt  }
0x82: {  	_ =	shalt  }
0x83: {  	_ =	shalt  }
0x84: {  	_ =	shalt  }
0x85: {  	_ =	shalt  }
0x86: {  	_ =	shalt  }
0x87: {  	_ =	shalt  }
.Lfunc_end0:
.L_simem_size_0:
called_computation_lowered:
.L_overlay_start_0:
0x88: {  	s2 =	sld [smem:$0x3FD9]  }
0x89: {  	s3 =	sld [smem:$0x3FFE];
	_ =	sdelay $0x1  }
0x8a: {  	s1 =	srdreg.scid  }
0x8b: {  	s0 =	sand.u32 $0x1, s1  }
0x8c: {  	s14 =	sshll.u32 s0, $0xA;
	s2 =	sadd.s32 s3, s2  }
0x8d: {  	s2 =	sadd.s32 s2, s14  }
0x8e: {  	[smem:$0x3FB9] =	sst s2  }
0x8f: {  	_ = 	snop  }
0x90: {  	s2 =	sld [smem:$0x3FD0];
	_ =	sdelay $0x2  }
0x91: {  	s15 =	simm.s32 $0xA;
	s4 =	simm.s32 $0x10  }
0x92: {  	[smem:s4], [sflag:s15] =	dma.local [hbm:s2], $0x1  }
0x93: {  	_ =	swait.eq [sflag:s15], $0x1  }
0x94: {  	[sflag:s15] =	ssyncset.done $0x0  }
0x95: {  	[sflag:s15] =	ssyncadd.s32 $0xFFFFFFFF  }
0x96: {  	s16 =	sld [smem:$0x10];
	(tm) =	ssettm $0x1  }
0x97: {  	s17 =	sld [smem:$0x3FFB];
	_ =	sdelay $0x3  }
0x98: {  	_ =	strace s17  }
0x99: {  	s3 =	sld [smem:$0x3FFC];
	_ =	sdelay $0x3  }
0x9a: {  	_ =	strace s3  }
0x9b: {  	s3 =	sld [smem:$0x3FFD];
	_ =	sdelay $0x3  }
0x9c: {  	_ =	strace s3  }
0x9d: {  	_ =	strace $0x8FFFFFFF  }
0x9e: {  	s18 =	sld [smem:$0x3FDB];
	_ =	sdelay $0x1  }
0x9f: {  	s19 =	simm.s32 $_scs_section_size  }
0xa0: {  	s5 =	simm.s32 $_size__tile_overlayer_lowered;
	s6 =	simm.s32 $_tile_overlayer_lowered  }
0xa1: {  	s22 =	simm.s32 $0x1BFF;
	s21 =	sshll.u32 s6, $0x1;
	s3 =	sadd.s32 s19, s18  }
0xa2: {  	s7 =	simm.s32 $0x0;
	s20 =	sshll.u32 s5, $0x1;
	s5 =	sadd.s32 s21, s3  }
0xa3: {  	[timem:s7], [sflag:s22] =	dma.local [hbm:s5], s20  }
0xa4: {  	_ =	swait.ge [sflag:s22], s20  }
0xa5: {  	s4 =	ssub.s32 $0x0, s20;
	[sflag:s22] =	ssyncset.done $0x0  }
0xa6: {  	[sflag:s22] =	ssyncadd.s32 s4;
	_ =	sdelay $0x1  }
0xa7: {  	s23 =	simm.s32 $0x1B8B  }
0xa8: {  	_ =	swait.ge [sflag:s23], $0x1  }
0xa9: {  	[sflag:s23] =	ssyncset.done $0x0  }
0xaa: {  	s25 =	simm.s32 $0x1B8E;
	s24 =	sld [smem:$0x3FFE];
	[sflag:s23] =	ssyncadd.s32 $0xFFFFFFFF  }
0xab: {  	s26 =	simm.s32 $execute0_lowered;
	[smem:$0x3FD2] =	sst s25  }
0xac: {  	s5 =	sshll.u32 s26, $0x1;
	_ =	strace $0x80000046;
	[dreg:$0x1] =	wrdreg $0xFFFFFFFF  }
0xad: {  	s28 =	simm.s32 $_size_execute0_lowered;
	s3 =	sadd.s32 s3, s5;
	[dreg:$0x0] =	wrdreg $0x0  }
0xae: {  	s5 =	sshll.u32 s28, $0x1;
	[dreg:$0x2] =	wrdreg s3  }
0xaf: {  	[dreg:$0x3] =	wrdreg s5  }
0xb0: {  	[dreg:$0x4] =	wrdreg $0xC0  }
0xb1: {  	_ =	task [dreg:s7], $0x5FFFF  }
0xb2: {  	[dreg:$0x1] =	wrdreg $0xFFFFFFFF  }
0xb3: {  	[dreg:$0x0] =	wrdreg $0x60  }
0xb4: {  	[dreg:$0x2] =	wrdreg s16  }
0xb5: {  	[dreg:$0x3] =	wrdreg s24  }
0xb6: {  	[dreg:$0x4] =	wrdreg $0x9  }
0xb7: {  	_ =	task.clear_ibuf [dreg:s7], $0x5FFFF;
	_ =	strace $0x90000046  }
0xb8: {  	s29 =	simm.s32 $0x9;
	_ =	strace $0x80000048  }
0xb9: {  	_ =	swait.ge [sflag:s29], $0x1  }
0xba: {  	[sflag:s29] =	ssyncadd.s32 $0xFFFFFFFF  }
0xbb: {  	_ =	strace $0x90000048  }
0xbc: {  	_ =	sfence  }
0xbd: {  	s30 =	sld [smem:$0x0];
	_ =	sdelay $0x2  }
0xbe: {  	s31 =	sshll.u32 s1, $0xD;
	s1 =	sshrl.u32 s1, $0x2  }
0xbf: {  	s3 =	sand.u32 $0x4000, s31;
	s1 =	sadd.s32 s1, s30  }
0xc0: {  	s0 =	sor.u32 s3, s0;
	s1 =	sshll.u32 s1, $0x11  }
0xc1: {  	s0 =	sor.u32 s1, s0  }
0xc2: {  	s0 =	sadd.s32 $0x8F2B, s0  }
0xc3: {  	[sflag:s0] =	ssyncadd.remote.s32 $0x1  }
0xc4: {  	_ =	sfence.sel $0xFFFF  }
0xc5: {  	[dreg:$0x0] =	wrdreg $0xFFFFFFFF;
	(pc) =	sbr.abs _section_cstart, $3  }
0xc6: {  	[dreg:$0x1] =	wrdreg $0xFFFFFFFF  }
0xc7: {  	_ =	task.clear_ibuf [dreg:s7], $0x2FFFF;
	_ =	strace $0x9FFFFFFF  }
0xc8: {  	(tm) =	ssettm $0x7FFFFFFF  }
0xc9: {  	_ =	shalt  }
tec
execute0_lowered:
.L_overlay_start_1:
0x0: {  	(tag) =	ssettag $0x1  }
0x1: {  	s1 =	srdreg.scid;
	s0 =	stileid.u32  }
0x2: {  	s2 =	rddreg [dreg:$0x0];
	s18 =	sand.u32 $0x1, s1;
	s29 =	sshll.u32 s0, $0x1  }
0x3: {  	s19 =	rddreg [dreg:$0x1];
	s20 =	sor.u32 s18, s29  }
0x4: {  	s3 =	simm.s32 $0x0;
	s1 =	rddreg [dreg:$0x2];
	s4 =	sshll.u32 s20, $0x7  }
0x5: {  	[smem:$0x7FF] =	sst s3;
	s4 =	sadd.s32 s4, s19  }
0x6: {  	_ =	strace $0x80000047;
	s5 =	sadd.s32 $0x2E00, s4;
	s4 =	simm.s32 $0x2  }
0x7: {  	[tilespmem:s3], [sflag:$0x2] =	stream.linear.gather [hbm4b:s5+s3], $0x300, $0x38;
	[tilespmem:$0x18400] =	vst v63  }
0x8: {  	_ =	swait.ge [sflag:s4], $0x300  }
0x9: {  	[sflag:s4] =	ssyncset.done $0x0  }
0xa: {  	s6 =	simm.s32 $0x80;
	s7 =	simm.s32 $0x400;
	[sflag:s4] =	ssyncadd.s32 $0xFFFFFD00  }
0xb: {  	[tilespmem:s7], [sflag:$0x1] =	stream.indirect.gather [hbm4b:s2+s6], $0x80, s3, s6, $0xb8;
	[tilespmem:$0x18400] =	vst v63  }
0xc: {  	s8 =	simm.s32 $0x4400  }
0xd: {  	[tilespmem:s8], [sflag:$0x1] =	stream.indirect.gather [hbm4b:s2+s6], $0x80, s6, s6, $0xb8;
	[tilespmem:$0x18400] =	vst v63  }
0xe: {  	s9 =	simm.s32 $0x100;
	s10 =	simm.s32 $0x8400  }
0xf: {  	[tilespmem:s10], [sflag:$0x1] =	stream.indirect.gather [hbm4b:s2+s6], $0x80, s9, s6, $0xb8;
	[tilespmem:$0x18400] =	vst v63  }
0x10: {  	s11 =	simm.s32 $0x180;
	s12 =	simm.s32 $0xC400  }
0x11: {  	[tilespmem:s12], [sflag:$0x1] =	stream.indirect.gather [hbm4b:s2+s6], $0x80, s11, s6, $0xb8;
	[tilespmem:$0x18400] =	vst v63  }
0x12: {  	s13 =	simm.s32 $0x200;
	s14 =	simm.s32 $0x10400  }
0x13: {  	[tilespmem:s14], [sflag:$0x1] =	stream.indirect.gather [hbm4b:s2+s6], $0x80, s13, s6, $0xb8;
	[tilespmem:$0x18400] =	vst v63  }
0x14: {  	s15 =	simm.s32 $0x280;
	s16 =	simm.s32 $0x14400;
	s17 =	simm.s32 $0x1  }
0x15: {  	[tilespmem:s16], [sflag:$0x1] =	stream.indirect.gather [hbm4b:s2+s6], $0x80, s15, s6, $0xb8;
	[tilespmem:$0x18400] =	vst v63  }
0x16: {  	_ =	swait.ge [sflag:s17], $0x4000  }
0x17: {  	[sflag:s17] =	ssyncset.done $0x0  }
0x18: {  	[sflag:s17] =	ssyncadd.s32 $0xFFFFC000  }
0x19: {  	_ =	swait.ge [sflag:s17], $0x4000  }
0x1a: {  	[sflag:s17] =	ssyncset.done $0x0  }
0x1b: {  	[sflag:s17] =	ssyncadd.s32 $0xFFFFC000  }
0x1c: {  	_ =	swait.ge [sflag:s17], $0x4000  }
0x1d: {  	[sflag:s17] =	ssyncset.done $0x0  }
0x1e: {  	[sflag:s17] =	ssyncadd.s32 $0xFFFFC000  }
0x1f: {  	_ =	swait.ge [sflag:s17], $0x4000  }
0x20: {  	[sflag:s17] =	ssyncset.done $0x0  }
0x21: {  	s18 =	ssub.s32 $0x2, s18;
	[sflag:s17] =	ssyncadd.s32 $0xFFFFC000  }
0x22: {  	s21 =	sshrl.u32 s18, $0x1;
	_ =	swait.ge [sflag:s17], $0x4000  }
0x23: {  	s30 =	ssub.s32 s18, s21;
	[sflag:s17] =	ssyncset.done $0x0  }
0x24: {  	s20 =	smul.u32 $0x3000, s20;
	s31 =	smax.u32 s30, $0x1;
	[sflag:s17] =	ssyncadd.s32 $0xFFFFC000  }
0x25: {  	p0 =	sne.s32 s31, $0x1;
	_ =	swait.ge [sflag:s17], $0x4000  }
.Ltmp0:
0x26: {  	s19 =	sadd.s32 s20, s19;
	[sflag:s17] =	ssyncset.done $0x0;
	(pc) =	sbr.rel @!p0 .LBB2_2-.Ltmp0, $4  }
0x27: {  	s18 =	sadd.s32 $0x3E00, s19;
	[sflag:s17] =	ssyncadd.s32 $0xFFFFC000  }
0x28: {  	[hbm4b:s18+s3] =	stream.linear.scatter [tilespmem:s7], [sflag:$0x2], $0x18000, $0x38;
	[tilespmem:$0x18400] =	vst v63  }
0x29: {  	_ =	swait.ge [sflag:s4], $0x18000  }
0x2a: {  	s19 =	sadd.s32 $0xFFFFFFFF, s31;
	[sflag:s4] =	ssyncset.done $0x0  }
.LBB2_1:
0x2b: {  	p0 =	sne.s32 s19, $0x1;
	s19 =	sadd.s32 $0xFFFFFFFF, s19;
	[sflag:s4] =	ssyncadd.s32 $0xFFFE8000  }
0x2c: {  	[tilespmem:s3], [sflag:$0x2] =	stream.linear.gather [hbm4b:s5+s3], $0x300, $0x38;
	[tilespmem:$0x18400] =	vst v63  }
0x2d: {  	_ =	swait.ge [sflag:s4], $0x300  }
0x2e: {  	[sflag:s4] =	ssyncset.done $0x0  }
0x2f: {  	[sflag:s4] =	ssyncadd.s32 $0xFFFFFD00  }
0x30: {  	[tilespmem:s7], [sflag:$0x1] =	stream.indirect.gather [hbm4b:s2+s6], $0x80, s3, s6, $0xb8;
	[tilespmem:$0x18400] =	vst v63  }
0x31: {  	_ = 	snop  }
0x32: {  	[tilespmem:s8], [sflag:$0x1] =	stream.indirect.gather [hbm4b:s2+s6], $0x80, s6, s6, $0xb8;
	[tilespmem:$0x18400] =	vst v63  }
0x33: {  	_ = 	snop  }
0x34: {  	[tilespmem:s10], [sflag:$0x1] =	stream.indirect.gather [hbm4b:s2+s6], $0x80, s9, s6, $0xb8;
	[tilespmem:$0x18400] =	vst v63  }
0x35: {  	_ = 	snop  }
0x36: {  	[tilespmem:s12], [sflag:$0x1] =	stream.indirect.gather [hbm4b:s2+s6], $0x80, s11, s6, $0xb8;
	[tilespmem:$0x18400] =	vst v63  }
0x37: {  	_ = 	snop  }
0x38: {  	[tilespmem:s14], [sflag:$0x1] =	stream.indirect.gather [hbm4b:s2+s6], $0x80, s13, s6, $0xb8;
	[tilespmem:$0x18400] =	vst v63  }
0x39: {  	_ = 	snop  }
0x3a: {  	[tilespmem:s16], [sflag:$0x1] =	stream.indirect.gather [hbm4b:s2+s6], $0x80, s15, s6, $0xb8;
	[tilespmem:$0x18400] =	vst v63  }
0x3b: {  	_ =	swait.ge [sflag:s17], $0x4000  }
0x3c: {  	[sflag:s17] =	ssyncset.done $0x0  }
0x3d: {  	[sflag:s17] =	ssyncadd.s32 $0xFFFFC000  }
0x3e: {  	_ =	swait.ge [sflag:s17], $0x4000  }
0x3f: {  	[sflag:s17] =	ssyncset.done $0x0  }
0x40: {  	[sflag:s17] =	ssyncadd.s32 $0xFFFFC000  }
0x41: {  	_ =	swait.ge [sflag:s17], $0x4000  }
0x42: {  	[sflag:s17] =	ssyncset.done $0x0  }
0x43: {  	[sflag:s17] =	ssyncadd.s32 $0xFFFFC000  }
0x44: {  	_ =	swait.ge [sflag:s17], $0x4000  }
0x45: {  	[sflag:s17] =	ssyncset.done $0x0  }
0x46: {  	[sflag:s17] =	ssyncadd.s32 $0xFFFFC000  }
0x47: {  	_ =	swait.ge [sflag:s17], $0x4000  }
0x48: {  	[sflag:s17] =	ssyncset.done $0x0  }
0x49: {  	[sflag:s17] =	ssyncadd.s32 $0xFFFFC000  }
0x4a: {  	_ =	swait.ge [sflag:s17], $0x4000  }
.Ltmp1:
0x4b: {  	[sflag:s17] =	ssyncset.done $0x0;
	(pc) =	sbr.rel @p0 .LBB2_1-.Ltmp1, $4  }
0x4c: {  	[sflag:s17] =	ssyncadd.s32 $0xFFFFC000  }
0x4d: {  	[hbm4b:s18+s3] =	stream.linear.scatter [tilespmem:s7], [sflag:$0x2], $0x18000, $0x38;
	[tilespmem:$0x18400] =	vst v63  }
0x4e: {  	_ =	swait.ge [sflag:s4], $0x18000  }
0x4f: {  	[sflag:s4] =	ssyncset.done $0x0  }
.LBB2_2:
0x50: {  	[sflag:s4] =	ssyncadd.s32 $0xFFFE8000  }
0x51: {  	_ =	sfence.sel $0x180000  }
0x52: {  	[bflag:$0x0] =	sbarrier.arrive $0xFFFF  }
0x53: {  	p0 =	sne.s32 s0, $0x0;
	_ =	strace $0x90000047  }
0x54: {  	s0 =	sadd.s32 @!p0 $0x100000, s1;
	[bflag:$0x2] =	sbarrier.arrive $0xFFFF  }
0x55: {  	[sflag:s0] =	ssyncadd.tile.s32 @!p0 $0x1;
	_ =	shalt  }
.Lfunc_end2:
_tile_overlayer_lowered:
.L_overlay_start_2:
0x56: {  	(tag) =	ssettag $0x2  }
0x57: {  	s0 =	rddreg [dreg:$0x0];
	s2 =	stileid.u32  }
0x58: {  	s1 =	rddreg [dreg:$0x1];
	p0 =	sne.s32 s2, $0x0  }
0x59: {  	s3 =	rddreg [dreg:$0x2];
	[bflag:$0x3] =	sbarrier.arrive $0xFFFF;
	s2 =	simm.s32 @!p0 $0x1C02  }
0x5a: {  	[timem:s3], [sflag:s2] =	dma.local @!p0 [hbm:s0], s1  }
0x5b: {  	s0 =	simm.s32 @!p0 $0x2  }
0x5c: {  	_ =	swait.ge @!p0 [sflag:s0], s1  }
0x5d: {  	s1 =	ssub.s32 @!p0 $0x0, s1;
	[sflag:s0] =	ssyncset.done @!p0 $0x0  }
0x5e: {  	[sflag:s0] =	ssyncadd.s32 @!p0 s1  }
0x5f: {  	[bflag:$0x3] =	sbarrier.arrive $0xFFFF  }
0x60: {  	_ =	shalt  }

</sc_bundles>
